<compile_context>
chip_gen: v7x
topology: tpu7x:2x2x1
jax: 0.10.2.dev20260603
libtpu: 0.0.44.dev20260713+nightly
codegen_flags: <defaults>
</compile_context>

<pallas_src>
import functools

import jax
import jax.numpy as jnp
import numpy as np
from jax import lax
from jax.experimental import pallas as pl
from jax.experimental.pallas import tpu as pltpu
from jax.experimental.pallas import tpu_sc as plsc

NC, NS = 2, 16
NW = NC * NS
EPS = 1e-5
SEGSUM = np.kron(np.eye(8, dtype=np.float32), np.ones((16, 16), np.float32))
FOLD16 = np.tile(np.eye(16, dtype=np.float32), (8, 1))



def _sc_gather(table, idx, chunk, tc_tiling=True):
    V, Dp = table.shape
    dt = table.dtype
    E = idx.shape[0]
    rpw = E // NW
    n_chunks = rpw // chunk
    mesh = plsc.VectorSubcoreMesh(
        core_axis_name="c", subcore_axis_name="s", num_cores=NC, num_subcores=NS)

    assert n_chunks % 2 == 0 and n_chunks >= 4 and chunk % 8 == 0

    @functools.partial(
        pl.kernel,
        out_type=jax.ShapeDtypeStruct((E, Dp), dt),
        mesh=mesh,
        compiler_params=pltpu.CompilerParams(use_tc_tiling_on_sc=tc_tiling),
        scratch_types=[
            pltpu.VMEM((rpw,), jnp.int32),
            pltpu.VMEM((chunk, Dp), dt),
            pltpu.VMEM((chunk, Dp), dt),
            pltpu.SemaphoreType.DMA,
            pltpu.SemaphoreType.DMA,
            pltpu.SemaphoreType.DMA,
            pltpu.SemaphoreType.DMA,
        ],
    )
    def k(tab_hbm, idx_hbm, out_hbm, idx_all, rows0, rows1, g0, g1, o0, o1):
        wid = lax.axis_index("s") * NC + lax.axis_index("c")
        start = wid * rpw
        rows = (rows0, rows1)
        gsem = (g0, g1)
        osem = (o0, o1)

        pltpu.sync_copy(idx_hbm.at[pl.ds(start, rpw)], idx_all)

        def run(j, b, wait_out):
            if wait_out:
                pltpu.make_async_copy(
                    rows[b], out_hbm.at[pl.ds(0, chunk)], osem[b]).wait()
            pltpu.async_copy(
                tab_hbm.at[idx_all.at[pl.ds(j * chunk, chunk)]],
                rows[b], gsem[b]).wait()
            pltpu.async_copy(
                rows[b], out_hbm.at[pl.ds(start + j * chunk, chunk)], osem[b])

        for b in (0, 1):
            run(b, b, False)

        def pair(jj, carry):
            for b in (0, 1):
                run(2 * jj + b, b, True)
            return carry

        lax.fori_loop(1, n_chunks // 2, pair, 0)
        for b in (0, 1):
            pltpu.make_async_copy(
                rows[b], out_hbm.at[pl.ds(0, chunk)], osem[b]).wait()

    return k(table, idx)



def _tile_off(off2, knn):
    p, w = off2.shape
    return jnp.broadcast_to(off2[:, None, :], (p, knn, w)).reshape(p * knn, w)


def _pack_f16(gxp, offp, seg):
    relp = offp - gxp
    ss = jnp.dot(relp * relp, seg, preferred_element_type=jnp.float32)
    disp = jnp.sqrt(ss)
    lane = lax.broadcasted_iota(jnp.int32, (1, 128), 1) % 16
    zero = jnp.zeros((1, 128), jnp.float32)
    return (pltpu.roll(relp, 1, 1) + pltpu.roll(offp, 4, 1)
            + pltpu.roll(gxp, 7, 1)
            + jnp.where(lane == 0, disp, 0.0)
            + jnp.where(lane == 10, 1.0, zero))


def _k1_body(gxp_ref, offp_ref, seg_ref, mom_ref):
    f16p = _pack_f16(gxp_ref[...], offp_ref[...], seg_ref[...])
    g = lax.dot_general(f16p, f16p, (((0,), (0,)), ((), ())),
                        preferred_element_type=jnp.float32)

    @pl.when(pl.program_id(0) == 0)
    def _():
        mom_ref[...] = jnp.zeros_like(mom_ref)

    mom_ref[...] += g


def _k2_body(knn, gf_ref, gx_ref, off_ref, w1_ref, b1_ref, wfc_ref, wm_ref,
             ym_ref, st_ref):
    m = gf_ref.shape[0]
    p = m // knn
    gx = gx_ref[...]
    go = _tile_off(off_ref[...], knn)
    rel = go - gx
    dis = jnp.sqrt(jnp.sum(rel * rel, axis=1, keepdims=True))
    lane = lax.broadcasted_iota(jnp.int32, (1, 16), 1)
    gxd = jnp.where(lane == 3, dis, gx)
    fxyz = jnp.maximum(
        jnp.dot(gxd, w1_ref[0:16, :], preferred_element_type=jnp.float32)
        + jnp.dot(go, w1_ref[16:32, :], preferred_element_type=jnp.float32)
        + b1_ref[...], 0.0)
    gff = gf_ref[...]
    fcb = jnp.concatenate(
        [gff.astype(jnp.bfloat16), fxyz.astype(jnp.bfloat16)], axis=1)
    att = jnp.dot(fcb, wfc_ref[...],
                  preferred_element_type=jnp.float32)
    att3 = att.reshape(p, knn, att.shape[1])
    e = jnp.exp(att3)
    deno = jnp.sum(e, axis=1)
    nume = jnp.concatenate(
        [jnp.sum(gff.reshape(p, knn, 128) * e[:, :, 0:128], axis=1),
         jnp.sum(fxyz.reshape(p, knn, 128) * e[:, :, 128:256], axis=1)],
        axis=1)
    fagg = nume / deno
    ym = jnp.dot(fagg, wm_ref[...],
                 preferred_element_type=jnp.float32)
    ym_ref[...] = ym
    part = jnp.concatenate(
        [jnp.sum(ym, axis=0, keepdims=True),
         jnp.sum(ym * ym, axis=0, keepdims=True)], axis=0)

    @pl.when(pl.program_id(0) == 0)
    def _():
        st_ref[...] = jnp.zeros_like(st_ref)

    st_ref[0:2, :] += part


def _k3_body(cnt, ym_ref, st_ref, gm_ref, bm_ref, out_ref):
    mean = st_ref[0:1, :] / cnt
    var = st_ref[1:2, :] / cnt - mean * mean
    scale = gm_ref[...] * lax.rsqrt(var + EPS)
    shift = bm_ref[...] - mean * scale
    y = jnp.maximum(ym_ref[0] * scale + shift, 0.0)
    out_ref[0] = y.T



def kernel(on_xyz, off_xyz, feature, neigh_idx, W1, g1, b1, Wfc, Wm, gm, bm):
    B, N, _ = on_xyz.shape
    D = feature.shape[1]
    K = neigh_idx.shape[2]
    E = B * N * K
    f32 = jnp.float32

    feat_tab = feature[:, :, :, 0].transpose(0, 2, 1).reshape(B * N, D)
    xyz_tab = jnp.pad(on_xyz.astype(f32), ((0, 0), (0, 0), (0, 13))
                      ).reshape(B * N, 16)
    off_tab = jnp.pad(off_xyz.astype(f32), ((0, 0), (0, 0), (0, 13))
                      ).reshape(B * N, 16)
    boff = (jnp.arange(B, dtype=jnp.int32) * N)[:, None, None]
    nidx = (neigh_idx.astype(jnp.int32) + boff).reshape(E)

    gx = _sc_gather(xyz_tab, nidx, chunk=1000, tc_tiling=False)
    gf = _sc_gather(feat_tab, nidx, chunk=200)

    gxp = gx.reshape(E // 8, 128)
    o128 = jnp.tile(off_tab, (1, 8))
    offp = jnp.repeat(o128, K // 8, axis=0)
    seg = jnp.asarray(SEGSUM)
    Mp1 = 4000
    mom = pl.pallas_call(
        _k1_body,
        grid=(E // 8 // Mp1,),
        in_specs=[
            pl.BlockSpec((Mp1, 128), lambda i: (i, 0)),
            pl.BlockSpec((Mp1, 128), lambda i: (i, 0)),
            pl.BlockSpec((128, 128), lambda i: (0, 0)),
        ],
        out_specs=pl.BlockSpec((128, 128), lambda i: (0, 0)),
        out_shape=jax.ShapeDtypeStruct((128, 128), f32),
        compiler_params=pltpu.CompilerParams(
            dimension_semantics=("arbitrary",)),
    )(gxp, offp, seg)

    fold = jnp.asarray(FOLD16)
    g16 = fold.T @ (mom * seg) @ fold
    cnt1 = jnp.float32(E)
    mu = g16[10, 0:10] / cnt1
    m2 = g16[0:10, 0:10] / cnt1
    cov = m2 - mu[:, None] * mu[None, :]
    mean1 = W1 @ mu
    var1 = jnp.einsum('oc,cd,od->o', W1, cov, W1)
    scale1 = g1 * lax.rsqrt(var1 + EPS)
    shift1 = b1 - mean1 * scale1
    w1p = jnp.zeros((16, D), f32).at[0:10, :].set((W1 * scale1[:, None]).T)
    wgd = (jnp.zeros((16, D), f32)
           .at[0:3, :].set(w1p[7:10, :] - w1p[1:4, :])
           .at[3, :].set(w1p[0, :]))
    wo = jnp.zeros((16, D), f32).at[0:3, :].set(w1p[4:7, :] + w1p[1:4, :])
    w1s = jnp.concatenate([wgd, wo], axis=0)
    b1r = shift1.reshape(1, D)

    P = 400
    M2b = P * K
    k2_call = pl.pallas_call(
        functools.partial(_k2_body, K),
        grid=(E // M2b,),
        in_specs=[
            pl.BlockSpec((M2b, D), lambda i: (i, 0)),
            pl.BlockSpec((M2b, 16), lambda i: (i, 0)),
            pl.BlockSpec((P, 16), lambda i: (i, 0)),
            pl.BlockSpec((32, D), lambda i: (0, 0)),
            pl.BlockSpec((1, D), lambda i: (0, 0)),
            pl.BlockSpec((2 * D, 2 * D), lambda i: (0, 0)),
            pl.BlockSpec((2 * D, D), lambda i: (0, 0)),
        ],
        out_specs=[
            pl.BlockSpec((P, D), lambda i: (i, 0)),
            pl.BlockSpec((8, D), lambda i: (0, 0)),
        ],
        out_shape=[
            jax.ShapeDtypeStruct((B * N, D), f32),
            jax.ShapeDtypeStruct((8, D), f32),
        ],
        compiler_params=pltpu.CompilerParams(
            dimension_semantics=("arbitrary",)),
    )
    ym, st = k2_call(gf, gx, off_tab, w1s, b1r,
                     Wfc.T.astype(jnp.bfloat16), Wm.T.astype(f32))

    out3 = pl.pallas_call(
        functools.partial(_k3_body, float(B * N)),
        grid=(B,),
        in_specs=[
            pl.BlockSpec((1, N, D), lambda b: (b, 0, 0)),
            pl.BlockSpec((8, D), lambda b: (0, 0)),
            pl.BlockSpec((1, D), lambda b: (0, 0)),
            pl.BlockSpec((1, D), lambda b: (0, 0)),
        ],
        out_specs=pl.BlockSpec((1, D, N), lambda b: (b, 0, 0)),
        out_shape=jax.ShapeDtypeStruct((B, D, N), f32),
        compiler_params=pltpu.CompilerParams(
            dimension_semantics=("arbitrary",)),
    )(ym.reshape(B, N, D), st, gm.reshape(1, D), bm.reshape(1, D))

    return out3[:, :, :, None]

# --- scband reference (transcript-rebuilt; emitter-appended) ---
"""Pipeline reference for scband-attentive-interpolation-22170621181972 (READ-ONLY COPY).

The authoritative reference and input builder live on the scoring server;
editing this copy changes nothing except your own understanding.
"""

import jax, jax.numpy as jnp
import numpy as np

B, N, K, D = 2, 10000, 16, 128

def gather_neighbour(pc, idx):
    b, npnt, k = idx.shape
    flat = idx.reshape(b, -1)
    feats = jnp.take_along_axis(pc, flat[:, :, None], axis=1)
    return feats.reshape(b, npnt, k, pc.shape[2])

def conv_bn_relu(x, W, gamma, beta, eps=1e-5):
    y = jnp.einsum('oc,bcnk->bonk', W, x)
    mean = y.mean(axis=(0, 2, 3), keepdims=True)
    var = y.var(axis=(0, 2, 3), keepdims=True)
    y = (y - mean) / jnp.sqrt(var + eps)
    y = y * gamma[None, :, None, None] + beta[None, :, None, None]
    return jax.nn.relu(y)

def setup_inputs(seed: int = 0):
    key = jax.random.key(seed)
    ks = jax.random.split(key, 8)
    on_xyz = jax.random.normal(ks[0], (B, N, 3), dtype=jnp.float32)
    off_xyz = jax.random.normal(ks[1], (B, N, 3), dtype=jnp.float32)
    feature = jax.random.normal(ks[2], (B, D, N, 1), dtype=jnp.float32)
    neigh_idx = jax.random.randint(ks[3], (B, N, K), 0, N)
    W1 = jax.random.normal(ks[4], (D, 10), dtype=jnp.float32) * 0.1
    g1 = jnp.ones((D,), jnp.float32)
    b1 = jnp.zeros((D,), jnp.float32)
    Wfc = jax.random.normal(ks[5], (2 * D, 2 * D), dtype=jnp.float32) * 0.05
    Wm = jax.random.normal(ks[6], (D, 2 * D), dtype=jnp.float32) * 0.05
    gm = jnp.ones((D,), jnp.float32)
    bm = jnp.zeros((D,), jnp.float32)
    return {"on_xyz": on_xyz, "off_xyz": off_xyz, "feature": feature, "neigh_idx": neigh_idx,
            "W1": W1, "g1": g1, "b1": b1, "Wfc": Wfc, "Wm": Wm, "gm": gm, "bm": bm}

def reference(on_xyz, off_xyz, feature, neigh_idx, W1, g1, b1, Wfc, Wm, gm, bm):
    # relative position encoding (task_flag='rec', distance=True)
    neighbor_xyz = gather_neighbour(on_xyz, neigh_idx)                      # [B,N,K,3]
    off_tile = jnp.repeat(off_xyz[:, :, None, :], neigh_idx.shape[-1], 2)   # [B,N,K,3]
    relative_xyz = off_tile - neighbor_xyz
    relative_dis = jnp.sqrt(jnp.sum(relative_xyz ** 2, axis=-1, keepdims=True))
    f_xyz = jnp.concatenate([relative_dis, relative_xyz, off_tile, neighbor_xyz], axis=-1)  # [B,N,K,10]
    f_xyz = jnp.transpose(f_xyz, (0, 3, 1, 2))                              # [B,10,N,K]
    f_xyz = conv_bn_relu(f_xyz, W1, g1, b1)                                 # [B,D,N,K]
    feat_bnd = jnp.transpose(feature[..., 0], (0, 2, 1))                    # [B,N,D]
    f_neighbours = gather_neighbour(feat_bnd, neigh_idx)                    # [B,N,K,D]
    f_neighbours = jnp.transpose(f_neighbours, (0, 3, 1, 2))                # [B,D,N,K]
    f_concat = jnp.concatenate([f_neighbours, f_xyz], axis=1)               # [B,2D,N,K]
    # Att_pooling
    att = jnp.einsum('oc,bcnk->bonk', Wfc, f_concat)
    scores = jax.nn.softmax(att, axis=3)
    f_agg = jnp.sum(f_concat * scores, axis=3, keepdims=True)               # [B,2D,N,1]
    f_agg = conv_bn_relu(f_agg, Wm, gm, bm)                                 # [B,D,N,1]
    return f_agg

if __name__ == "__main__":
    import jax
    _d = setup_inputs()
    print(jax.jit(kernel)(*tuple(_d.values())))

</pallas_src>

<mosaic_0001>
#map = affine_map<(d0, d1) -> (0, 0)>
#map1 = affine_map<(d0, d1) -> (0)>
module attributes {stable_mosaic.version = 14 : i64} {
  func.func @k(%arg0: i32, %arg1: i32, %arg2: memref<20000x128xf32, #tpu.memory_space<hbm>>, %arg3: memref<320000xi32, #tpu.memory_space<hbm>>, %arg4: memref<320000x128xf32, #tpu.memory_space<hbm>>, %arg5: memref<10000xi32, #tpu.memory_space<vmem>>, %arg6: memref<200x128xf32, #tpu.memory_space<vmem>>, %arg7: memref<200x128xf32, #tpu.memory_space<vmem>>, %arg8: memref<!tpu.dma_semaphore, #tpu.memory_space<semaphore_mem>>, %arg9: memref<!tpu.dma_semaphore, #tpu.memory_space<semaphore_mem>>, %arg10: memref<!tpu.dma_semaphore, #tpu.memory_space<semaphore_mem>>, %arg11: memref<!tpu.dma_semaphore, #tpu.memory_space<semaphore_mem>>) attributes {dimension_semantics = [#tpu.dimension_semantics<core_parallel>, #tpu.dimension_semantics<subcore_parallel>], iteration_bounds = array<i64: 2, 16>, scalar_prefetch = 0 : i64, scratch_operands = 7 : i64, tpu.core_type = #tpu.core_type<sc_vector_subcore>, window_params = [{transform_indices = #map}, {transform_indices = #map1}, {transform_indices = #map}]} {
    %mul3A = arith.constant 2 : i32
    %mul3A_0 = arith.muli %arg1, %mul3A : i32
    %add3A = arith.addi %mul3A_0, %arg0 : i32
    %mul3A_1 = arith.constant 10000 : i32
    %mul3A_2 = arith.muli %add3A, %mul3A_1 : i32
    "tpu.region"() ({
      %run_scoped3A = tpu.sem_alloc : memref<!tpu.dma_semaphore, #tpu.memory_space<semaphore_mem>>
      %dma_start3A_50 = tpu.memref_slice %arg3[%mul3A_2] : memref<320000xi32, #tpu.memory_space<hbm>> -> memref<10000xi32, #tpu.memory_space<hbm>>
      %dma_start3A_51 = tpu.memref_slice %arg3[%mul3A_2] : memref<320000xi32, #tpu.memory_space<hbm>> -> memref<10000xi32, #tpu.memory_space<hbm>>
      tpu.enqueue_dma source(%dma_start3A_51 : memref<10000xi32, #tpu.memory_space<hbm>>) target(%arg5 : memref<10000xi32, #tpu.memory_space<vmem>>) target_semaphore(%run_scoped3A : memref<!tpu.dma_semaphore, #tpu.memory_space<semaphore_mem>>)
      %dma_wait3A_52 = tpu.memref_slice %arg3[%mul3A_2] : memref<320000xi32, #tpu.memory_space<hbm>> -> memref<10000xi32, #tpu.memory_space<hbm>>
      %dma_wait3A_53 = tpu.memref_slice %arg3[%mul3A_2] : memref<320000xi32, #tpu.memory_space<hbm>> -> memref<10000xi32, #tpu.memory_space<hbm>>
      tpu.wait_dma2 semaphore(%run_scoped3A : memref<!tpu.dma_semaphore, #tpu.memory_space<semaphore_mem>>) src(%dma_wait3A_53 : memref<10000xi32, #tpu.memory_space<hbm>>) dst(%arg5 : memref<10000xi32, #tpu.memory_space<vmem>>)
      tpu.yield
    }) : () -> ()
    %dma_start3A = arith.constant 0 : i32
    %dma_start3A_3 = tpu.memref_slice %arg5[%dma_start3A] : memref<10000xi32, #tpu.memory_space<vmem>> -> memref<200xi32, #tpu.memory_space<vmem>>
    %dma_start3A_4 = arith.constant 0 : i32
    %dma_start3A_5 = arith.constant 0 : i32
    %dma_start3A_6 = tpu.memref_slice %arg2[%dma_start3A_4, %dma_start3A_5] : memref<20000x128xf32, #tpu.memory_space<hbm>> -> memref<20000x128xf32, #tpu.memory_space<hbm>>
    tpu.enqueue_indirect_dma source(%dma_start3A_6 : memref<20000x128xf32, #tpu.memory_space<hbm>>) target(%arg6 : memref<200x128xf32, #tpu.memory_space<vmem>>) offsets(%dma_start3A_3 : memref<200xi32, #tpu.memory_space<vmem>>) semaphore(%arg8 : memref<!tpu.dma_semaphore, #tpu.memory_space<semaphore_mem>>)
    %dma_wait3A = arith.constant 0 : i32
    %dma_wait3A_7 = tpu.memref_slice %arg5[%dma_wait3A] : memref<10000xi32, #tpu.memory_space<vmem>> -> memref<200xi32, #tpu.memory_space<vmem>>
    %dma_wait3A_8 = arith.constant 0 : i32
    %dma_wait3A_9 = arith.constant 0 : i32
    %dma_wait3A_10 = tpu.memref_slice %arg2[%dma_wait3A_8, %dma_wait3A_9] : memref<20000x128xf32, #tpu.memory_space<hbm>> -> memref<20000x128xf32, #tpu.memory_space<hbm>>
    tpu.wait_indirect_dma semaphore(%arg8 : memref<!tpu.dma_semaphore, #tpu.memory_space<semaphore_mem>>) src(%dma_wait3A_10 : memref<20000x128xf32, #tpu.memory_space<hbm>>) dst(%arg6 : memref<200x128xf32, #tpu.memory_space<vmem>>)
    %add3A_11 = arith.constant 0 : i32
    %add3A_12 = arith.addi %mul3A_2, %add3A_11 : i32
    %dma_start3A_13 = arith.constant 0 : i32
    %dma_start3A_14 = tpu.memref_slice %arg4[%add3A_12, %dma_start3A_13] : memref<320000x128xf32, #tpu.memory_space<hbm>> -> memref<200x128xf32, #tpu.memory_space<hbm>>
    %dma_start3A_15 = arith.constant 0 : i32
    %dma_start3A_16 = tpu.memref_slice %arg4[%add3A_12, %dma_start3A_15] : memref<320000x128xf32, #tpu.memory_space<hbm>> -> memref<200x128xf32, #tpu.memory_space<hbm>>
    tpu.enqueue_dma source(%arg6 : memref<200x128xf32, #tpu.memory_space<vmem>>) target(%dma_start3A_16 : memref<200x128xf32, #tpu.memory_space<hbm>>) target_semaphore(%arg10 : memref<!tpu.dma_semaphore, #tpu.memory_space<semaphore_mem>>)
    %dma_start3A_17 = arith.constant 200 : i32
    %dma_start3A_18 = tpu.memref_slice %arg5[%dma_start3A_17] : memref<10000xi32, #tpu.memory_space<vmem>> -> memref<200xi32, #tpu.memory_space<vmem>>
    %dma_start3A_19 = arith.constant 0 : i32
    %dma_start3A_20 = arith.constant 0 : i32
    %dma_start3A_21 = tpu.memref_slice %arg2[%dma_start3A_19, %dma_start3A_20] : memref<20000x128xf32, #tpu.memory_space<hbm>> -> memref<20000x128xf32, #tpu.memory_space<hbm>>
    tpu.enqueue_indirect_dma source(%dma_start3A_21 : memref<20000x128xf32, #tpu.memory_space<hbm>>) target(%arg7 : memref<200x128xf32, #tpu.memory_space<vmem>>) offsets(%dma_start3A_18 : memref<200xi32, #tpu.memory_space<vmem>>) semaphore(%arg9 : memref<!tpu.dma_semaphore, #tpu.memory_space<semaphore_mem>>)
    %dma_wait3A_22 = arith.constant 200 : i32
    %dma_wait3A_23 = tpu.memref_slice %arg5[%dma_wait3A_22] : memref<10000xi32, #tpu.memory_space<vmem>> -> memref<200xi32, #tpu.memory_space<vmem>>
    %dma_wait3A_24 = arith.constant 0 : i32
    %dma_wait3A_25 = arith.constant 0 : i32
    %dma_wait3A_26 = tpu.memref_slice %arg2[%dma_wait3A_24, %dma_wait3A_25] : memref<20000x128xf32, #tpu.memory_space<hbm>> -> memref<20000x128xf32, #tpu.memory_space<hbm>>
    tpu.wait_indirect_dma semaphore(%arg9 : memref<!tpu.dma_semaphore, #tpu.memory_space<semaphore_mem>>) src(%dma_wait3A_26 : memref<20000x128xf32, #tpu.memory_space<hbm>>) dst(%arg7 : memref<200x128xf32, #tpu.memory_space<vmem>>)
    %add3A_27 = arith.constant 200 : i32
    %add3A_28 = arith.addi %mul3A_2, %add3A_27 : i32
    %dma_start3A_29 = arith.constant 0 : i32
    %dma_start3A_30 = tpu.memref_slice %arg4[%add3A_28, %dma_start3A_29] : memref<320000x128xf32, #tpu.memory_space<hbm>> -> memref<200x128xf32, #tpu.memory_space<hbm>>
    %dma_start3A_31 = arith.constant 0 : i32
    %dma_start3A_32 = tpu.memref_slice %arg4[%add3A_28, %dma_start3A_31] : memref<320000x128xf32, #tpu.memory_space<hbm>> -> memref<200x128xf32, #tpu.memory_space<hbm>>
    tpu.enqueue_dma source(%arg7 : memref<200x128xf32, #tpu.memory_space<vmem>>) target(%dma_start3A_32 : memref<200x128xf32, #tpu.memory_space<hbm>>) target_semaphore(%arg11 : memref<!tpu.dma_semaphore, #tpu.memory_space<semaphore_mem>>)
    %scan3A = arith.constant 0 : i32
    %scan3A_33 = arith.constant 1 : i32
    %scan3A_34 = arith.constant 24 : i32
    %scan3A_35 = arith.addi %scan3A_33, %scan3A_34 : i32
    %scan3A_36 = arith.constant 1 : i32
    scf.for %scan3A_50 = %scan3A_33 to %scan3A_35 step %scan3A_36  : i32 {
      %mul3A_51 = arith.constant 2 : i32
      %mul3A_52 = arith.muli %mul3A_51, %scan3A_50 : i32
      %add3A_53 = arith.constant 0 : i32
      %add3A_54 = arith.addi %mul3A_52, %add3A_53 : i32
      %dma_wait3A_55 = arith.constant 0 : i32
      %dma_wait3A_56 = arith.constant 0 : i32
      %dma_wait3A_57 = tpu.memref_slice %arg4[%dma_wait3A_55, %dma_wait3A_56] : memref<320000x128xf32, #tpu.memory_space<hbm>> -> memref<200x128xf32, #tpu.memory_space<hbm>>
      %dma_wait3A_58 = arith.constant 0 : i32
      %dma_wait3A_59 = arith.constant 0 : i32
      %dma_wait3A_60 = tpu.memref_slice %arg4[%dma_wait3A_58, %dma_wait3A_59] : memref<320000x128xf32, #tpu.memory_space<hbm>> -> memref<200x128xf32, #tpu.memory_space<hbm>>
      tpu.wait_dma2 semaphore(%arg10 : memref<!tpu.dma_semaphore, #tpu.memory_space<semaphore_mem>>) src(%arg6 : memref<200x128xf32, #tpu.memory_space<vmem>>) dst(%dma_wait3A_60 : memref<200x128xf32, #tpu.memory_space<hbm>>)
      %mul3A_61 = arith.constant 200 : i32
      %mul3A_62 = arith.muli %add3A_54, %mul3A_61 : i32
      %dma_start3A_63 = tpu.memref_slice %arg5[%mul3A_62] : memref<10000xi32, #tpu.memory_space<vmem>> -> memref<200xi32, #tpu.memory_space<vmem>>
      %dma_start3A_64 = arith.constant 0 : i32
      %dma_start3A_65 = arith.constant 0 : i32
      %dma_start3A_66 = tpu.memref_slice %arg2[%dma_start3A_64, %dma_start3A_65] : memref<20000x128xf32, #tpu.memory_space<hbm>> -> memref<20000x128xf32, #tpu.memory_space<hbm>>
      tpu.enqueue_indirect_dma source(%dma_start3A_66 : memref<20000x128xf32, #tpu.memory_space<hbm>>) target(%arg6 : memref<200x128xf32, #tpu.memory_space<vmem>>) offsets(%dma_start3A_63 : memref<200xi32, #tpu.memory_space<vmem>>) semaphore(%arg8 : memref<!tpu.dma_semaphore, #tpu.memory_space<semaphore_mem>>)
      %dma_wait3A_67 = tpu.memref_slice %arg5[%mul3A_62] : memref<10000xi32, #tpu.memory_space<vmem>> -> memref<200xi32, #tpu.memory_space<vmem>>
      %dma_wait3A_68 = arith.constant 0 : i32
      %dma_wait3A_69 = arith.constant 0 : i32
      %dma_wait3A_70 = tpu.memref_slice %arg2[%dma_wait3A_68, %dma_wait3A_69] : memref<20000x128xf32, #tpu.memory_space<hbm>> -> memref<20000x128xf32, #tpu.memory_space<hbm>>
      tpu.wait_indirect_dma semaphore(%arg8 : memref<!tpu.dma_semaphore, #tpu.memory_space<semaphore_mem>>) src(%dma_wait3A_70 : memref<20000x128xf32, #tpu.memory_space<hbm>>) dst(%arg6 : memref<200x128xf32, #tpu.memory_space<vmem>>)
      %mul3A_71 = arith.constant 200 : i32
      %mul3A_72 = arith.muli %add3A_54, %mul3A_71 : i32
      %add3A_73 = arith.addi %mul3A_2, %mul3A_72 : i32
      %dma_start3A_74 = arith.constant 0 : i32
      %dma_start3A_75 = tpu.memref_slice %arg4[%add3A_73, %dma_start3A_74] : memref<320000x128xf32, #tpu.memory_space<hbm>> -> memref<200x128xf32, #tpu.memory_space<hbm>>
      %dma_start3A_76 = arith.constant 0 : i32
      %dma_start3A_77 = tpu.memref_slice %arg4[%add3A_73, %dma_start3A_76] : memref<320000x128xf32, #tpu.memory_space<hbm>> -> memref<200x128xf32, #tpu.memory_space<hbm>>
      tpu.enqueue_dma source(%arg6 : memref<200x128xf32, #tpu.memory_space<vmem>>) target(%dma_start3A_77 : memref<200x128xf32, #tpu.memory_space<hbm>>) target_semaphore(%arg10 : memref<!tpu.dma_semaphore, #tpu.memory_space<semaphore_mem>>)
      %mul3A_78 = arith.constant 2 : i32
      %mul3A_79 = arith.muli %mul3A_78, %scan3A_50 : i32
      %add3A_80 = arith.constant 1 : i32
      %add3A_81 = arith.addi %mul3A_79, %add3A_80 : i32
      %dma_wait3A_82 = arith.constant 0 : i32
      %dma_wait3A_83 = arith.constant 0 : i32
      %dma_wait3A_84 = tpu.memref_slice %arg4[%dma_wait3A_82, %dma_wait3A_83] : memref<320000x128xf32, #tpu.memory_space<hbm>> -> memref<200x128xf32, #tpu.memory_space<hbm>>
      %dma_wait3A_85 = arith.constant 0 : i32
      %dma_wait3A_86 = arith.constant 0 : i32
      %dma_wait3A_87 = tpu.memref_slice %arg4[%dma_wait3A_85, %dma_wait3A_86] : memref<320000x128xf32, #tpu.memory_space<hbm>> -> memref<200x128xf32, #tpu.memory_space<hbm>>
      tpu.wait_dma2 semaphore(%arg11 : memref<!tpu.dma_semaphore, #tpu.memory_space<semaphore_mem>>) src(%arg7 : memref<200x128xf32, #tpu.memory_space<vmem>>) dst(%dma_wait3A_87 : memref<200x128xf32, #tpu.memory_space<hbm>>)
      %mul3A_88 = arith.constant 200 : i32
      %mul3A_89 = arith.muli %add3A_81, %mul3A_88 : i32
      %dma_start3A_90 = tpu.memref_slice %arg5[%mul3A_89] : memref<10000xi32, #tpu.memory_space<vmem>> -> memref<200xi32, #tpu.memory_space<vmem>>
      %dma_start3A_91 = arith.constant 0 : i32
      %dma_start3A_92 = arith.constant 0 : i32
      %dma_start3A_93 = tpu.memref_slice %arg2[%dma_start3A_91, %dma_start3A_92] : memref<20000x128xf32, #tpu.memory_space<hbm>> -> memref<20000x128xf32, #tpu.memory_space<hbm>>
      tpu.enqueue_indirect_dma source(%dma_start3A_93 : memref<20000x128xf32, #tpu.memory_space<hbm>>) target(%arg7 : memref<200x128xf32, #tpu.memory_space<vmem>>) offsets(%dma_start3A_90 : memref<200xi32, #tpu.memory_space<vmem>>) semaphore(%arg9 : memref<!tpu.dma_semaphore, #tpu.memory_space<semaphore_mem>>)
      %dma_wait3A_94 = tpu.memref_slice %arg5[%mul3A_89] : memref<10000xi32, #tpu.memory_space<vmem>> -> memref<200xi32, #tpu.memory_space<vmem>>
      %dma_wait3A_95 = arith.constant 0 : i32
      %dma_wait3A_96 = arith.constant 0 : i32
      %dma_wait3A_97 = tpu.memref_slice %arg2[%dma_wait3A_95, %dma_wait3A_96] : memref<20000x128xf32, #tpu.memory_space<hbm>> -> memref<20000x128xf32, #tpu.memory_space<hbm>>
      tpu.wait_indirect_dma semaphore(%arg9 : memref<!tpu.dma_semaphore, #tpu.memory_space<semaphore_mem>>) src(%dma_wait3A_97 : memref<20000x128xf32, #tpu.memory_space<hbm>>) dst(%arg7 : memref<200x128xf32, #tpu.memory_space<vmem>>)
      %mul3A_98 = arith.constant 200 : i32
      %mul3A_99 = arith.muli %add3A_81, %mul3A_98 : i32
      %add3A_100 = arith.addi %mul3A_2, %mul3A_99 : i32
      %dma_start3A_101 = arith.constant 0 : i32
      %dma_start3A_102 = tpu.memref_slice %arg4[%add3A_100, %dma_start3A_101] : memref<320000x128xf32, #tpu.memory_space<hbm>> -> memref<200x128xf32, #tpu.memory_space<hbm>>
      %dma_start3A_103 = arith.constant 0 : i32
      %dma_start3A_104 = tpu.memref_slice %arg4[%add3A_100, %dma_start3A_103] : memref<320000x128xf32, #tpu.memory_space<hbm>> -> memref<200x128xf32, #tpu.memory_space<hbm>>
      tpu.enqueue_dma source(%arg7 : memref<200x128xf32, #tpu.memory_space<vmem>>) target(%dma_start3A_104 : memref<200x128xf32, #tpu.memory_space<hbm>>) target_semaphore(%arg11 : memref<!tpu.dma_semaphore, #tpu.memory_space<semaphore_mem>>)
    }
    %scan3A_37 = arith.constant 24 : i32
    %dma_wait3A_38 = arith.constant 0 : i32
    %dma_wait3A_39 = arith.constant 0 : i32
    %dma_wait3A_40 = tpu.memref_slice %arg4[%dma_wait3A_38, %dma_wait3A_39] : memref<320000x128xf32, #tpu.memory_space<hbm>> -> memref<200x128xf32, #tpu.memory_space<hbm>>
    %dma_wait3A_41 = arith.constant 0 : i32
    %dma_wait3A_42 = arith.constant 0 : i32
    %dma_wait3A_43 = tpu.memref_slice %arg4[%dma_wait3A_41, %dma_wait3A_42] : memref<320000x128xf32, #tpu.memory_space<hbm>> -> memref<200x128xf32, #tpu.memory_space<hbm>>
    tpu.wait_dma2 semaphore(%arg10 : memref<!tpu.dma_semaphore, #tpu.memory_space<semaphore_mem>>) src(%arg6 : memref<200x128xf32, #tpu.memory_space<vmem>>) dst(%dma_wait3A_43 : memref<200x128xf32, #tpu.memory_space<hbm>>)
    %dma_wait3A_44 = arith.constant 0 : i32
    %dma_wait3A_45 = arith.constant 0 : i32
    %dma_wait3A_46 = tpu.memref_slice %arg4[%dma_wait3A_44, %dma_wait3A_45] : memref<320000x128xf32, #tpu.memory_space<hbm>> -> memref<200x128xf32, #tpu.memory_space<hbm>>
    %dma_wait3A_47 = arith.constant 0 : i32
    %dma_wait3A_48 = arith.constant 0 : i32
    %dma_wait3A_49 = tpu.memref_slice %arg4[%dma_wait3A_47, %dma_wait3A_48] : memref<320000x128xf32, #tpu.memory_space<hbm>> -> memref<200x128xf32, #tpu.memory_space<hbm>>
    tpu.wait_dma2 semaphore(%arg11 : memref<!tpu.dma_semaphore, #tpu.memory_space<semaphore_mem>>) src(%arg7 : memref<200x128xf32, #tpu.memory_space<vmem>>) dst(%dma_wait3A_49 : memref<200x128xf32, #tpu.memory_space<hbm>>)
    return
  }
}

#map = affine_map<(d0, d1) -> (0, 0)>
#map1 = affine_map<(d0, d1) -> (0)>
module attributes {stable_mosaic.version = 14 : i64} {
  func.func @k(%arg0: i32, %arg1: i32, %arg2: memref<20000x16xf32, #tpu.memory_space<hbm>>, %arg3: memref<320000xi32, #tpu.memory_space<hbm>>, %arg4: memref<320000x16xf32, #tpu.memory_space<hbm>>, %arg5: memref<10000xi32, #tpu.memory_space<vmem>>, %arg6: memref<1000x16xf32, #tpu.memory_space<vmem>>, %arg7: memref<1000x16xf32, #tpu.memory_space<vmem>>, %arg8: memref<!tpu.dma_semaphore, #tpu.memory_space<semaphore_mem>>, %arg9: memref<!tpu.dma_semaphore, #tpu.memory_space<semaphore_mem>>, %arg10: memref<!tpu.dma_semaphore, #tpu.memory_space<semaphore_mem>>, %arg11: memref<!tpu.dma_semaphore, #tpu.memory_space<semaphore_mem>>) attributes {dimension_semantics = [#tpu.dimension_semantics<core_parallel>, #tpu.dimension_semantics<subcore_parallel>], iteration_bounds = array<i64: 2, 16>, scalar_prefetch = 0 : i64, scratch_operands = 7 : i64, tpu.core_type = #tpu.core_type<sc_vector_subcore>, window_params = [{transform_indices = #map}, {transform_indices = #map1}, {transform_indices = #map}]} {
    %mul3A = arith.constant 2 : i32
    %mul3A_0 = arith.muli %arg1, %mul3A : i32
    %add3A = arith.addi %mul3A_0, %arg0 : i32
    %mul3A_1 = arith.constant 10000 : i32
    %mul3A_2 = arith.muli %add3A, %mul3A_1 : i32
    "tpu.region"() ({
      %run_scoped3A = tpu.sem_alloc : memref<!tpu.dma_semaphore, #tpu.memory_space<semaphore_mem>>
      %dma_start3A_50 = tpu.memref_slice %arg3[%mul3A_2] : memref<320000xi32, #tpu.memory_space<hbm>> -> memref<10000xi32, #tpu.memory_space<hbm>>
      %dma_start3A_51 = tpu.memref_slice %arg3[%mul3A_2] : memref<320000xi32, #tpu.memory_space<hbm>> -> memref<10000xi32, #tpu.memory_space<hbm>>
      tpu.enqueue_dma source(%dma_start3A_51 : memref<10000xi32, #tpu.memory_space<hbm>>) target(%arg5 : memref<10000xi32, #tpu.memory_space<vmem>>) target_semaphore(%run_scoped3A : memref<!tpu.dma_semaphore, #tpu.memory_space<semaphore_mem>>)
      %dma_wait3A_52 = tpu.memref_slice %arg3[%mul3A_2] : memref<320000xi32, #tpu.memory_space<hbm>> -> memref<10000xi32, #tpu.memory_space<hbm>>
      %dma_wait3A_53 = tpu.memref_slice %arg3[%mul3A_2] : memref<320000xi32, #tpu.memory_space<hbm>> -> memref<10000xi32, #tpu.memory_space<hbm>>
      tpu.wait_dma2 semaphore(%run_scoped3A : memref<!tpu.dma_semaphore, #tpu.memory_space<semaphore_mem>>) src(%dma_wait3A_53 : memref<10000xi32, #tpu.memory_space<hbm>>) dst(%arg5 : memref<10000xi32, #tpu.memory_space<vmem>>)
      tpu.yield
    }) : () -> ()
    %dma_start3A = arith.constant 0 : i32
    %dma_start3A_3 = tpu.memref_slice %arg5[%dma_start3A] : memref<10000xi32, #tpu.memory_space<vmem>> -> memref<1000xi32, #tpu.memory_space<vmem>>
    %dma_start3A_4 = arith.constant 0 : i32
    %dma_start3A_5 = arith.constant 0 : i32
    %dma_start3A_6 = tpu.memref_slice %arg2[%dma_start3A_4, %dma_start3A_5] : memref<20000x16xf32, #tpu.memory_space<hbm>> -> memref<20000x16xf32, #tpu.memory_space<hbm>>
    tpu.enqueue_indirect_dma source(%dma_start3A_6 : memref<20000x16xf32, #tpu.memory_space<hbm>>) target(%arg6 : memref<1000x16xf32, #tpu.memory_space<vmem>>) offsets(%dma_start3A_3 : memref<1000xi32, #tpu.memory_space<vmem>>) semaphore(%arg8 : memref<!tpu.dma_semaphore, #tpu.memory_space<semaphore_mem>>)
    %dma_wait3A = arith.constant 0 : i32
    %dma_wait3A_7 = tpu.memref_slice %arg5[%dma_wait3A] : memref<10000xi32, #tpu.memory_space<vmem>> -> memref<1000xi32, #tpu.memory_space<vmem>>
    %dma_wait3A_8 = arith.constant 0 : i32
    %dma_wait3A_9 = arith.constant 0 : i32
    %dma_wait3A_10 = tpu.memref_slice %arg2[%dma_wait3A_8, %dma_wait3A_9] : memref<20000x16xf32, #tpu.memory_space<hbm>> -> memref<20000x16xf32, #tpu.memory_space<hbm>>
    tpu.wait_indirect_dma semaphore(%arg8 : memref<!tpu.dma_semaphore, #tpu.memory_space<semaphore_mem>>) src(%dma_wait3A_10 : memref<20000x16xf32, #tpu.memory_space<hbm>>) dst(%arg6 : memref<1000x16xf32, #tpu.memory_space<vmem>>)
    %add3A_11 = arith.constant 0 : i32
    %add3A_12 = arith.addi %mul3A_2, %add3A_11 : i32
    %dma_start3A_13 = arith.constant 0 : i32
    %dma_start3A_14 = tpu.memref_slice %arg4[%add3A_12, %dma_start3A_13] : memref<320000x16xf32, #tpu.memory_space<hbm>> -> memref<1000x16xf32, #tpu.memory_space<hbm>>
    %dma_start3A_15 = arith.constant 0 : i32
    %dma_start3A_16 = tpu.memref_slice %arg4[%add3A_12, %dma_start3A_15] : memref<320000x16xf32, #tpu.memory_space<hbm>> -> memref<1000x16xf32, #tpu.memory_space<hbm>>
    tpu.enqueue_dma source(%arg6 : memref<1000x16xf32, #tpu.memory_space<vmem>>) target(%dma_start3A_16 : memref<1000x16xf32, #tpu.memory_space<hbm>>) target_semaphore(%arg10 : memref<!tpu.dma_semaphore, #tpu.memory_space<semaphore_mem>>)
    %dma_start3A_17 = arith.constant 1000 : i32
    %dma_start3A_18 = tpu.memref_slice %arg5[%dma_start3A_17] : memref<10000xi32, #tpu.memory_space<vmem>> -> memref<1000xi32, #tpu.memory_space<vmem>>
    %dma_start3A_19 = arith.constant 0 : i32
    %dma_start3A_20 = arith.constant 0 : i32
    %dma_start3A_21 = tpu.memref_slice %arg2[%dma_start3A_19, %dma_start3A_20] : memref<20000x16xf32, #tpu.memory_space<hbm>> -> memref<20000x16xf32, #tpu.memory_space<hbm>>
    tpu.enqueue_indirect_dma source(%dma_start3A_21 : memref<20000x16xf32, #tpu.memory_space<hbm>>) target(%arg7 : memref<1000x16xf32, #tpu.memory_space<vmem>>) offsets(%dma_start3A_18 : memref<1000xi32, #tpu.memory_space<vmem>>) semaphore(%arg9 : memref<!tpu.dma_semaphore, #tpu.memory_space<semaphore_mem>>)
    %dma_wait3A_22 = arith.constant 1000 : i32
    %dma_wait3A_23 = tpu.memref_slice %arg5[%dma_wait3A_22] : memref<10000xi32, #tpu.memory_space<vmem>> -> memref<1000xi32, #tpu.memory_space<vmem>>
    %dma_wait3A_24 = arith.constant 0 : i32
    %dma_wait3A_25 = arith.constant 0 : i32
    %dma_wait3A_26 = tpu.memref_slice %arg2[%dma_wait3A_24, %dma_wait3A_25] : memref<20000x16xf32, #tpu.memory_space<hbm>> -> memref<20000x16xf32, #tpu.memory_space<hbm>>
    tpu.wait_indirect_dma semaphore(%arg9 : memref<!tpu.dma_semaphore, #tpu.memory_space<semaphore_mem>>) src(%dma_wait3A_26 : memref<20000x16xf32, #tpu.memory_space<hbm>>) dst(%arg7 : memref<1000x16xf32, #tpu.memory_space<vmem>>)
    %add3A_27 = arith.constant 1000 : i32
    %add3A_28 = arith.addi %mul3A_2, %add3A_27 : i32
    %dma_start3A_29 = arith.constant 0 : i32
    %dma_start3A_30 = tpu.memref_slice %arg4[%add3A_28, %dma_start3A_29] : memref<320000x16xf32, #tpu.memory_space<hbm>> -> memref<1000x16xf32, #tpu.memory_space<hbm>>
    %dma_start3A_31 = arith.constant 0 : i32
    %dma_start3A_32 = tpu.memref_slice %arg4[%add3A_28, %dma_start3A_31] : memref<320000x16xf32, #tpu.memory_space<hbm>> -> memref<1000x16xf32, #tpu.memory_space<hbm>>
    tpu.enqueue_dma source(%arg7 : memref<1000x16xf32, #tpu.memory_space<vmem>>) target(%dma_start3A_32 : memref<1000x16xf32, #tpu.memory_space<hbm>>) target_semaphore(%arg11 : memref<!tpu.dma_semaphore, #tpu.memory_space<semaphore_mem>>)
    %scan3A = arith.constant 0 : i32
    %scan3A_33 = arith.constant 1 : i32
    %scan3A_34 = arith.constant 4 : i32
    %scan3A_35 = arith.addi %scan3A_33, %scan3A_34 : i32
    %scan3A_36 = arith.constant 1 : i32
    scf.for %scan3A_50 = %scan3A_33 to %scan3A_35 step %scan3A_36  : i32 {
      %mul3A_51 = arith.constant 2 : i32
      %mul3A_52 = arith.muli %mul3A_51, %scan3A_50 : i32
      %add3A_53 = arith.constant 0 : i32
      %add3A_54 = arith.addi %mul3A_52, %add3A_53 : i32
      %dma_wait3A_55 = arith.constant 0 : i32
      %dma_wait3A_56 = arith.constant 0 : i32
      %dma_wait3A_57 = tpu.memref_slice %arg4[%dma_wait3A_55, %dma_wait3A_56] : memref<320000x16xf32, #tpu.memory_space<hbm>> -> memref<1000x16xf32, #tpu.memory_space<hbm>>
      %dma_wait3A_58 = arith.constant 0 : i32
      %dma_wait3A_59 = arith.constant 0 : i32
      %dma_wait3A_60 = tpu.memref_slice %arg4[%dma_wait3A_58, %dma_wait3A_59] : memref<320000x16xf32, #tpu.memory_space<hbm>> -> memref<1000x16xf32, #tpu.memory_space<hbm>>
      tpu.wait_dma2 semaphore(%arg10 : memref<!tpu.dma_semaphore, #tpu.memory_space<semaphore_mem>>) src(%arg6 : memref<1000x16xf32, #tpu.memory_space<vmem>>) dst(%dma_wait3A_60 : memref<1000x16xf32, #tpu.memory_space<hbm>>)
      %mul3A_61 = arith.constant 1000 : i32
      %mul3A_62 = arith.muli %add3A_54, %mul3A_61 : i32
      %dma_start3A_63 = tpu.memref_slice %arg5[%mul3A_62] : memref<10000xi32, #tpu.memory_space<vmem>> -> memref<1000xi32, #tpu.memory_space<vmem>>
      %dma_start3A_64 = arith.constant 0 : i32
      %dma_start3A_65 = arith.constant 0 : i32
      %dma_start3A_66 = tpu.memref_slice %arg2[%dma_start3A_64, %dma_start3A_65] : memref<20000x16xf32, #tpu.memory_space<hbm>> -> memref<20000x16xf32, #tpu.memory_space<hbm>>
      tpu.enqueue_indirect_dma source(%dma_start3A_66 : memref<20000x16xf32, #tpu.memory_space<hbm>>) target(%arg6 : memref<1000x16xf32, #tpu.memory_space<vmem>>) offsets(%dma_start3A_63 : memref<1000xi32, #tpu.memory_space<vmem>>) semaphore(%arg8 : memref<!tpu.dma_semaphore, #tpu.memory_space<semaphore_mem>>)
      %dma_wait3A_67 = tpu.memref_slice %arg5[%mul3A_62] : memref<10000xi32, #tpu.memory_space<vmem>> -> memref<1000xi32, #tpu.memory_space<vmem>>
      %dma_wait3A_68 = arith.constant 0 : i32
      %dma_wait3A_69 = arith.constant 0 : i32
      %dma_wait3A_70 = tpu.memref_slice %arg2[%dma_wait3A_68, %dma_wait3A_69] : memref<20000x16xf32, #tpu.memory_space<hbm>> -> memref<20000x16xf32, #tpu.memory_space<hbm>>
      tpu.wait_indirect_dma semaphore(%arg8 : memref<!tpu.dma_semaphore, #tpu.memory_space<semaphore_mem>>) src(%dma_wait3A_70 : memref<20000x16xf32, #tpu.memory_space<hbm>>) dst(%arg6 : memref<1000x16xf32, #tpu.memory_space<vmem>>)
      %mul3A_71 = arith.constant 1000 : i32
      %mul3A_72 = arith.muli %add3A_54, %mul3A_71 : i32
      %add3A_73 = arith.addi %mul3A_2, %mul3A_72 : i32
      %dma_start3A_74 = arith.constant 0 : i32
      %dma_start3A_75 = tpu.memref_slice %arg4[%add3A_73, %dma_start3A_74] : memref<320000x16xf32, #tpu.memory_space<hbm>> -> memref<1000x16xf32, #tpu.memory_space<hbm>>
      %dma_start3A_76 = arith.constant 0 : i32
      %dma_start3A_77 = tpu.memref_slice %arg4[%add3A_73, %dma_start3A_76] : memref<320000x16xf32, #tpu.memory_space<hbm>> -> memref<1000x16xf32, #tpu.memory_space<hbm>>
      tpu.enqueue_dma source(%arg6 : memref<1000x16xf32, #tpu.memory_space<vmem>>) target(%dma_start3A_77 : memref<1000x16xf32, #tpu.memory_space<hbm>>) target_semaphore(%arg10 : memref<!tpu.dma_semaphore, #tpu.memory_space<semaphore_mem>>)
      %mul3A_78 = arith.constant 2 : i32
      %mul3A_79 = arith.muli %mul3A_78, %scan3A_50 : i32
      %add3A_80 = arith.constant 1 : i32
      %add3A_81 = arith.addi %mul3A_79, %add3A_80 : i32
      %dma_wait3A_82 = arith.constant 0 : i32
      %dma_wait3A_83 = arith.constant 0 : i32
      %dma_wait3A_84 = tpu.memref_slice %arg4[%dma_wait3A_82, %dma_wait3A_83] : memref<320000x16xf32, #tpu.memory_space<hbm>> -> memref<1000x16xf32, #tpu.memory_space<hbm>>
      %dma_wait3A_85 = arith.constant 0 : i32
      %dma_wait3A_86 = arith.constant 0 : i32
      %dma_wait3A_87 = tpu.memref_slice %arg4[%dma_wait3A_85, %dma_wait3A_86] : memref<320000x16xf32, #tpu.memory_space<hbm>> -> memref<1000x16xf32, #tpu.memory_space<hbm>>
      tpu.wait_dma2 semaphore(%arg11 : memref<!tpu.dma_semaphore, #tpu.memory_space<semaphore_mem>>) src(%arg7 : memref<1000x16xf32, #tpu.memory_space<vmem>>) dst(%dma_wait3A_87 : memref<1000x16xf32, #tpu.memory_space<hbm>>)
      %mul3A_88 = arith.constant 1000 : i32
      %mul3A_89 = arith.muli %add3A_81, %mul3A_88 : i32
      %dma_start3A_90 = tpu.memref_slice %arg5[%mul3A_89] : memref<10000xi32, #tpu.memory_space<vmem>> -> memref<1000xi32, #tpu.memory_space<vmem>>
      %dma_start3A_91 = arith.constant 0 : i32
      %dma_start3A_92 = arith.constant 0 : i32
      %dma_start3A_93 = tpu.memref_slice %arg2[%dma_start3A_91, %dma_start3A_92] : memref<20000x16xf32, #tpu.memory_space<hbm>> -> memref<20000x16xf32, #tpu.memory_space<hbm>>
      tpu.enqueue_indirect_dma source(%dma_start3A_93 : memref<20000x16xf32, #tpu.memory_space<hbm>>) target(%arg7 : memref<1000x16xf32, #tpu.memory_space<vmem>>) offsets(%dma_start3A_90 : memref<1000xi32, #tpu.memory_space<vmem>>) semaphore(%arg9 : memref<!tpu.dma_semaphore, #tpu.memory_space<semaphore_mem>>)
      %dma_wait3A_94 = tpu.memref_slice %arg5[%mul3A_89] : memref<10000xi32, #tpu.memory_space<vmem>> -> memref<1000xi32, #tpu.memory_space<vmem>>
      %dma_wait3A_95 = arith.constant 0 : i32
      %dma_wait3A_96 = arith.constant 0 : i32
      %dma_wait3A_97 = tpu.memref_slice %arg2[%dma_wait3A_95, %dma_wait3A_96] : memref<20000x16xf32, #tpu.memory_space<hbm>> -> memref<20000x16xf32, #tpu.memory_space<hbm>>
      tpu.wait_indirect_dma semaphore(%arg9 : memref<!tpu.dma_semaphore, #tpu.memory_space<semaphore_mem>>) src(%dma_wait3A_97 : memref<20000x16xf32, #tpu.memory_space<hbm>>) dst(%arg7 : memref<1000x16xf32, #tpu.memory_space<vmem>>)
      %mul3A_98 = arith.constant 1000 : i32
      %mul3A_99 = arith.muli %add3A_81, %mul3A_98 : i32
      %add3A_100 = arith.addi %mul3A_2, %mul3A_99 : i32
      %dma_start3A_101 = arith.constant 0 : i32
      %dma_start3A_102 = tpu.memref_slice %arg4[%add3A_100, %dma_start3A_101] : memref<320000x16xf32, #tpu.memory_space<hbm>> -> memref<1000x16xf32, #tpu.memory_space<hbm>>
      %dma_start3A_103 = arith.constant 0 : i32
      %dma_start3A_104 = tpu.memref_slice %arg4[%add3A_100, %dma_start3A_103] : memref<320000x16xf32, #tpu.memory_space<hbm>> -> memref<1000x16xf32, #tpu.memory_space<hbm>>
      tpu.enqueue_dma source(%arg7 : memref<1000x16xf32, #tpu.memory_space<vmem>>) target(%dma_start3A_104 : memref<1000x16xf32, #tpu.memory_space<hbm>>) target_semaphore(%arg11 : memref<!tpu.dma_semaphore, #tpu.memory_space<semaphore_mem>>)
    }
    %scan3A_37 = arith.constant 4 : i32
    %dma_wait3A_38 = arith.constant 0 : i32
    %dma_wait3A_39 = arith.constant 0 : i32
    %dma_wait3A_40 = tpu.memref_slice %arg4[%dma_wait3A_38, %dma_wait3A_39] : memref<320000x16xf32, #tpu.memory_space<hbm>> -> memref<1000x16xf32, #tpu.memory_space<hbm>>
    %dma_wait3A_41 = arith.constant 0 : i32
    %dma_wait3A_42 = arith.constant 0 : i32
    %dma_wait3A_43 = tpu.memref_slice %arg4[%dma_wait3A_41, %dma_wait3A_42] : memref<320000x16xf32, #tpu.memory_space<hbm>> -> memref<1000x16xf32, #tpu.memory_space<hbm>>
    tpu.wait_dma2 semaphore(%arg10 : memref<!tpu.dma_semaphore, #tpu.memory_space<semaphore_mem>>) src(%arg6 : memref<1000x16xf32, #tpu.memory_space<vmem>>) dst(%dma_wait3A_43 : memref<1000x16xf32, #tpu.memory_space<hbm>>)
    %dma_wait3A_44 = arith.constant 0 : i32
    %dma_wait3A_45 = arith.constant 0 : i32
    %dma_wait3A_46 = tpu.memref_slice %arg4[%dma_wait3A_44, %dma_wait3A_45] : memref<320000x16xf32, #tpu.memory_space<hbm>> -> memref<1000x16xf32, #tpu.memory_space<hbm>>
    %dma_wait3A_47 = arith.constant 0 : i32
    %dma_wait3A_48 = arith.constant 0 : i32
    %dma_wait3A_49 = tpu.memref_slice %arg4[%dma_wait3A_47, %dma_wait3A_48] : memref<320000x16xf32, #tpu.memory_space<hbm>> -> memref<1000x16xf32, #tpu.memory_space<hbm>>
    tpu.wait_dma2 semaphore(%arg11 : memref<!tpu.dma_semaphore, #tpu.memory_space<semaphore_mem>>) src(%arg7 : memref<1000x16xf32, #tpu.memory_space<vmem>>) dst(%dma_wait3A_49 : memref<1000x16xf32, #tpu.memory_space<hbm>>)
    return
  }
}

module attributes {stable_mosaic.version = 14 : i64} {
  func.func @_k1_body(%arg0: i32, %arg1: memref<4000x128xf32, #tpu.memory_space<vmem>>, %arg2: memref<4000x128xf32, #tpu.memory_space<vmem>>, %arg3: memref<128x128xf32, #tpu.memory_space<vmem>>, %arg4: memref<128x128xf32, #tpu.memory_space<vmem>>) attributes {dimension_semantics = [#tpu.dimension_semantics<arbitrary>], iteration_bounds = array<i64: 10>, scalar_prefetch = 0 : i64, scratch_operands = 0 : i64, tpu.core_type = #tpu.core_type<tc>, window_params = [{transform_indices = @transform_0, window_bounds = array<i64: 4000, 128>}, {transform_indices = @transform_1, window_bounds = array<i64: 4000, 128>}, {pipeline_mode = #tpu.pipeline_mode<synchronous>, transform_indices = @transform_2, window_bounds = array<i64: 128, 128>}, {pipeline_mode = #tpu.pipeline_mode<synchronous>, transform_indices = @transform_3, window_bounds = array<i64: 128, 128>}]} {
    %get3A = arith.constant 0 : index
    %get3A_0 = arith.constant 0 : index
    %get3A_1 = vector.load %arg1[%get3A, %get3A_0] : memref<4000x128xf32, #tpu.memory_space<vmem>>, vector<4000x128xf32>
    %get3A_2 = arith.constant 0 : index
    %get3A_3 = arith.constant 0 : index
    %get3A_4 = vector.load %arg2[%get3A_2, %get3A_3] : memref<4000x128xf32, #tpu.memory_space<vmem>>, vector<4000x128xf32>
    %get3A_5 = arith.constant 0 : index
    %get3A_6 = arith.constant 0 : index
    %get3A_7 = vector.load %arg3[%get3A_5, %get3A_6] : memref<128x128xf32, #tpu.memory_space<vmem>>, vector<128x128xf32>
    %sub3A = arith.subf %get3A_4, %get3A_1 : vector<4000x128xf32>
    %mul3A = arith.mulf %sub3A, %sub3A : vector<4000x128xf32>
    %dot_general3A = arith.constant dense<0.000000e+00> : vector<4000x128xf32>
    %dot_general3A_8 = tpu.matmul %mul3A, %get3A_7, %dot_general3A {dimension_numbers = #tpu.dot_dimension_numbers<[1], [0], [0], [1], [0, 0, 1, 1], [], []>, transpose_lhs_hint = false} : vector<4000x128xf32>, vector<128x128xf32>, vector<4000x128xf32> -> vector<4000x128xf32>
    %sqrt3A = math.sqrt %dot_general3A_8 : vector<4000x128xf32>
    %iota3A = tpu.iota {dimensions = array<i32: 1>} : vector<1x128xi32>
    %jit3A = arith.constant 16 : i32
    %eq3A = arith.constant 0 : i32
    %eq3A_9 = arith.cmpi eq, %jit3A, %eq3A : i32
    %jit3A_10 = arith.constant 1 : i32
    %select_n3A = arith.select %eq3A_9, %jit3A_10, %jit3A : i32
    %rem3A = vector.broadcast %select_n3A : i32 to vector<1x128xi32>
    %rem3A_11 = arith.remsi %iota3A, %rem3A : vector<1x128xi32>
    %ne3A = arith.constant 0 : i32
    %ne3A_12 = vector.broadcast %ne3A : i32 to vector<1x128xi32>
    %ne3A_13 = arith.cmpi ne, %rem3A_11, %ne3A_12 : vector<1x128xi32>
    %lt3A = arith.constant 0 : i32
    %lt3A_14 = vector.broadcast %lt3A : i32 to vector<1x128xi32>
    %lt3A_15 = arith.cmpi slt, %rem3A_11, %lt3A_14 : vector<1x128xi32>
    %lt3A_16 = arith.constant 0 : i32
    %lt3A_17 = arith.cmpi slt, %select_n3A, %lt3A_16 : i32
    %ne3A_18 = vector.broadcast %lt3A_17 : i1 to vector<1x128xi1>
    %ne3A_19 = vector.broadcast %ne3A_18 : vector<1x128xi1> to vector<1x128xi1>
    %ne3A_20 = arith.xori %lt3A_15, %ne3A_19 : vector<1x128xi1>
    %and3A = arith.andi %ne3A_20, %ne3A_13 : vector<1x128xi1>
    %add3A = vector.broadcast %select_n3A : i32 to vector<1x128xi32>
    %add3A_21 = arith.addi %rem3A_11, %add3A : vector<1x128xi32>
    %select_n3A_22 = arith.select %and3A, %add3A_21, %rem3A_11 : vector<1x128xi1>, vector<1x128xi32>
    %broadcast_in_dim3A = arith.constant 0.000000e+00 : f32
    %broadcast_in_dim3A_23 = vector.broadcast %broadcast_in_dim3A : f32 to vector<1x128xf32>
    %roll3A = arith.constant 1 : i32
    %roll3A_24 = tpu.dynamic_rotate %sub3A by %roll3A dim 1 : vector<4000x128xf32>, i32 -> vector<4000x128xf32>
    %roll3A_25 = arith.constant 4 : i32
    %roll3A_26 = tpu.dynamic_rotate %get3A_4 by %roll3A_25 dim 1 : vector<4000x128xf32>, i32 -> vector<4000x128xf32>
    %add3A_27 = arith.addf %roll3A_24, %roll3A_26 : vector<4000x128xf32>
    %roll3A_28 = arith.constant 7 : i32
    %roll3A_29 = tpu.dynamic_rotate %get3A_1 by %roll3A_28 dim 1 : vector<4000x128xf32>, i32 -> vector<4000x128xf32>
    %add3A_30 = arith.addf %add3A_27, %roll3A_29 : vector<4000x128xf32>
    %eq3A_31 = arith.constant 0 : i32
    %eq3A_32 = vector.broadcast %eq3A_31 : i32 to vector<1x128xi32>
    %eq3A_33 = arith.cmpi eq, %select_n3A_22, %eq3A_32 : vector<1x128xi32>
    %jit3A_34 = arith.constant 0.000000e+00 : f32
    %broadcast_in_dim3A_35 = vector.shape_cast %eq3A_33 : vector<1x128xi1> to vector<1x128xi1>
    %broadcast_in_dim3A_36 = vector.broadcast %broadcast_in_dim3A_35 : vector<1x128xi1> to vector<4000x128xi1>
    %broadcast_in_dim3A_37 = vector.broadcast %jit3A_34 : f32 to vector<4000x128xf32>
    %select_n3A_38 = arith.select %broadcast_in_dim3A_36, %sqrt3A, %broadcast_in_dim3A_37 : vector<4000x128xi1>, vector<4000x128xf32>
    %add3A_39 = arith.addf %add3A_30, %select_n3A_38 : vector<4000x128xf32>
    %eq3A_40 = arith.constant 10 : i32
    %eq3A_41 = vector.broadcast %eq3A_40 : i32 to vector<1x128xi32>
    %eq3A_42 = arith.cmpi eq, %select_n3A_22, %eq3A_41 : vector<1x128xi32>
    %jit3A_43 = arith.constant 1.000000e+00 : f32
    %broadcast_in_dim3A_44 = vector.broadcast %jit3A_43 : f32 to vector<1x128xf32>
    %select_n3A_45 = arith.select %eq3A_42, %broadcast_in_dim3A_44, %broadcast_in_dim3A_23 : vector<1x128xi1>, vector<1x128xf32>
    %add3A_46 = vector.broadcast %select_n3A_45 : vector<1x128xf32> to vector<4000x128xf32>
    %add3A_47 = arith.addf %add3A_39, %add3A_46 : vector<4000x128xf32>
    %dot_general3A_48 = arith.constant dense<0.000000e+00> : vector<128x128xf32>
    %dot_general3A_49 = tpu.matmul %add3A_47, %add3A_47, %dot_general3A_48 {dimension_numbers = #tpu.dot_dimension_numbers<[0], [0], [1], [1], [0, 1, 1, 1], [], []>, transpose_lhs_hint = false} : vector<4000x128xf32>, vector<4000x128xf32>, vector<128x128xf32> -> vector<128x128xf32>
    %eq3A_50 = arith.constant 0 : i32
    %eq3A_51 = arith.cmpi eq, %arg0, %eq3A_50 : i32
    %convert_element_type3A = arith.extui %eq3A_51 : i1 to i32
    %cond3A = arith.constant 0 : i32
    %cond3A_52 = arith.cmpi ne, %convert_element_type3A, %cond3A : i32
    scf.if %cond3A_52 {
      %broadcast_in_dim3A_59 = arith.constant 0.000000e+00 : f32
      %broadcast_in_dim3A_60 = vector.broadcast %broadcast_in_dim3A_59 : f32 to vector<128x128xf32>
      %swap3A_61 = arith.constant 0 : index
      %swap3A_62 = arith.constant 0 : index
      %swap3A_63 = vector.load %arg4[%swap3A_61, %swap3A_62] : memref<128x128xf32, #tpu.memory_space<vmem>>, vector<128x128xf32>
      tpu.vector_store %arg4[%swap3A_61, %swap3A_62], %broadcast_in_dim3A_60 {strides = array<i32>} : memref<128x128xf32, #tpu.memory_space<vmem>>, vector<128x128xf32>,
    } else {
    }
    %get3A_53 = arith.constant 0 : index
    %get3A_54 = arith.constant 0 : index
    %get3A_55 = vector.load %arg4[%get3A_53, %get3A_54] : memref<128x128xf32, #tpu.memory_space<vmem>>, vector<128x128xf32>
    %add3A_56 = arith.addf %get3A_55, %dot_general3A_49 : vector<128x128xf32>
    %swap3A = arith.constant 0 : index
    %swap3A_57 = arith.constant 0 : index
    %swap3A_58 = vector.load %arg4[%swap3A, %swap3A_57] : memref<128x128xf32, #tpu.memory_space<vmem>>, vector<128x128xf32>
    tpu.vector_store %arg4[%swap3A, %swap3A_57], %add3A_56 {strides = array<i32>} : memref<128x128xf32, #tpu.memory_space<vmem>>, vector<128x128xf32>,
    return
  }
  func.func @transform_0(%arg0: i32) -> (i32, i32) {
    %c0_i32 = arith.constant 0 : i32
    %c0_i32_0 = arith.constant 0 : i32
    return %arg0, %c0_i32 : i32, i32
  }
  func.func @transform_1(%arg0: i32) -> (i32, i32) {
    %c0_i32 = arith.constant 0 : i32
    %c0_i32_0 = arith.constant 0 : i32
    return %arg0, %c0_i32 : i32, i32
  }
  func.func @transform_2(%arg0: i32) -> (i32, i32) {
    %c0_i32 = arith.constant 0 : i32
    %c0_i32_0 = arith.constant 0 : i32
    %c0_i32_1 = arith.constant 0 : i32
    return %c0_i32, %c0_i32_0 : i32, i32
  }
  func.func @transform_3(%arg0: i32) -> (i32, i32) {
    %c0_i32 = arith.constant 0 : i32
    %c0_i32_0 = arith.constant 0 : i32
    %c0_i32_1 = arith.constant 0 : i32
    return %c0_i32, %c0_i32_0 : i32, i32
  }
}

module attributes {stable_mosaic.version = 14 : i64} {
  func.func @_k2_body(%arg0: i32, %arg1: memref<6400x128xf32, #tpu.memory_space<vmem>>, %arg2: memref<6400x16xf32, #tpu.memory_space<vmem>>, %arg3: memref<400x16xf32, #tpu.memory_space<vmem>>, %arg4: memref<32x128xf32, #tpu.memory_space<vmem>>, %arg5: memref<1x128xf32, #tpu.memory_space<vmem>>, %arg6: memref<256x256xbf16, #tpu.memory_space<vmem>>, %arg7: memref<256x128xf32, #tpu.memory_space<vmem>>, %arg8: memref<400x128xf32, #tpu.memory_space<vmem>>, %arg9: memref<8x128xf32, #tpu.memory_space<vmem>>) attributes {dimension_semantics = [#tpu.dimension_semantics<arbitrary>], iteration_bounds = array<i64: 50>, scalar_prefetch = 0 : i64, scratch_operands = 0 : i64, tpu.core_type = #tpu.core_type<tc>, window_params = [{transform_indices = @transform_0, window_bounds = array<i64: 6400, 128>}, {transform_indices = @transform_1, window_bounds = array<i64: 6400, 16>}, {transform_indices = @transform_2, window_bounds = array<i64: 400, 16>}, {pipeline_mode = #tpu.pipeline_mode<synchronous>, transform_indices = @transform_3, window_bounds = array<i64: 32, 128>}, {pipeline_mode = #tpu.pipeline_mode<synchronous>, transform_indices = @transform_4, window_bounds = array<i64: 1, 128>}, {pipeline_mode = #tpu.pipeline_mode<synchronous>, transform_indices = @transform_5, window_bounds = array<i64: 256, 256>}, {pipeline_mode = #tpu.pipeline_mode<synchronous>, transform_indices = @transform_6, window_bounds = array<i64: 256, 128>}, {transform_indices = @transform_7, window_bounds = array<i64: 400, 128>}, {pipeline_mode = #tpu.pipeline_mode<synchronous>, transform_indices = @transform_8, window_bounds = array<i64: 8, 128>}]} {
    %get3A = arith.constant 0 : index
    %get3A_0 = arith.constant 0 : index
    %get3A_1 = vector.load %arg2[%get3A, %get3A_0] : memref<6400x16xf32, #tpu.memory_space<vmem>>, vector<6400x16xf32>
    %get3A_2 = arith.constant 0 : index
    %get3A_3 = arith.constant 0 : index
    %get3A_4 = vector.load %arg3[%get3A_2, %get3A_3] : memref<400x16xf32, #tpu.memory_space<vmem>>, vector<400x16xf32>
    %broadcast_in_dim3A = vector.shape_cast %get3A_4 : vector<400x16xf32> to vector<400x1x16xf32>
    %broadcast_in_dim3A_5 = vector.shape_cast %broadcast_in_dim3A : vector<400x1x16xf32> to vector<400x1x16xf32>
    %broadcast_in_dim3A_6 = vector.broadcast %broadcast_in_dim3A_5 : vector<400x1x16xf32> to vector<400x16x16xf32>
    %reshape3A = vector.shape_cast %broadcast_in_dim3A_6 : vector<400x16x16xf32> to vector<6400x16xf32>
    %sub3A = arith.subf %reshape3A, %get3A_1 : vector<6400x16xf32>
    %mul3A = arith.mulf %sub3A, %sub3A : vector<6400x16xf32>
    %reduce_sum3A = arith.constant dense<0.000000e+00> : vector<6400xf32>
    %reduce_sum3A_7 = vector.multi_reduction <add>, %mul3A, %reduce_sum3A [1] : vector<6400x16xf32> to vector<6400xf32>
    %broadcast_in_dim3A_8 = vector.shape_cast %reduce_sum3A_7 : vector<6400xf32> to vector<6400x1xf32>
    %sqrt3A = math.sqrt %broadcast_in_dim3A_8 : vector<6400x1xf32>
    %iota3A = tpu.iota {dimensions = array<i32: 1>} : vector<1x16xi32>
    %eq3A = arith.constant 3 : i32
    %eq3A_9 = vector.broadcast %eq3A : i32 to vector<1x16xi32>
    %eq3A_10 = arith.cmpi eq, %iota3A, %eq3A_9 : vector<1x16xi32>
    %broadcast_in_dim3A_11 = vector.shape_cast %eq3A_10 : vector<1x16xi1> to vector<1x16xi1>
    %broadcast_in_dim3A_12 = vector.broadcast %broadcast_in_dim3A_11 : vector<1x16xi1> to vector<6400x16xi1>
    %broadcast_in_dim3A_13 = vector.shape_cast %sqrt3A : vector<6400x1xf32> to vector<6400x1xf32>
    %broadcast_in_dim3A_14 = vector.broadcast %broadcast_in_dim3A_13 : vector<6400x1xf32> to vector<6400x16xf32>
    %select_n3A = arith.select %broadcast_in_dim3A_12, %broadcast_in_dim3A_14, %get3A_1 : vector<6400x16xi1>, vector<6400x16xf32>
    %get3A_15 = arith.constant 0 : index
    %get3A_16 = arith.constant 0 : index
    %get3A_17 = vector.load %arg4[%get3A_15, %get3A_16] : memref<32x128xf32, #tpu.memory_space<vmem>>, vector<16x128xf32>
    %dot_general3A = arith.constant dense<0.000000e+00> : vector<6400x128xf32>
    %dot_general3A_18 = tpu.matmul %select_n3A, %get3A_17, %dot_general3A {dimension_numbers = #tpu.dot_dimension_numbers<[1], [0], [0], [1], [0, 0, 1, 1], [], []>, transpose_lhs_hint = false} : vector<6400x16xf32>, vector<16x128xf32>, vector<6400x128xf32> -> vector<6400x128xf32>
    %get3A_19 = arith.constant 16 : index
    %get3A_20 = arith.constant 0 : index
    %get3A_21 = vector.load %arg4[%get3A_19, %get3A_20] : memref<32x128xf32, #tpu.memory_space<vmem>>, vector<16x128xf32>
    %dot_general3A_22 = arith.constant dense<0.000000e+00> : vector<6400x128xf32>
    %dot_general3A_23 = tpu.matmul %reshape3A, %get3A_21, %dot_general3A_22 {dimension_numbers = #tpu.dot_dimension_numbers<[1], [0], [0], [1], [0, 0, 1, 1], [], []>, transpose_lhs_hint = false} : vector<6400x16xf32>, vector<16x128xf32>, vector<6400x128xf32> -> vector<6400x128xf32>
    %add3A = arith.addf %dot_general3A_18, %dot_general3A_23 : vector<6400x128xf32>
    %get3A_24 = arith.constant 0 : index
    %get3A_25 = arith.constant 0 : index
    %get3A_26 = vector.load %arg5[%get3A_24, %get3A_25] : memref<1x128xf32, #tpu.memory_space<vmem>>, vector<1x128xf32>
    %add3A_27 = vector.broadcast %get3A_26 : vector<1x128xf32> to vector<6400x128xf32>
    %add3A_28 = arith.addf %add3A, %add3A_27 : vector<6400x128xf32>
    %max3A = arith.constant 0.000000e+00 : f32
    %max3A_29 = vector.broadcast %max3A : f32 to vector<6400x128xf32>
    %max3A_30 = arith.maximumf %add3A_28, %max3A_29 : vector<6400x128xf32>
    %get3A_31 = arith.constant 0 : index
    %get3A_32 = arith.constant 0 : index
    %get3A_33 = vector.load %arg1[%get3A_31, %get3A_32] : memref<6400x128xf32, #tpu.memory_space<vmem>>, vector<6400x128xf32>
    %convert_element_type3A = arith.truncf %get3A_33 : vector<6400x128xf32> to vector<6400x128xbf16>
    %convert_element_type3A_34 = arith.truncf %max3A_30 : vector<6400x128xf32> to vector<6400x128xbf16>
    %concatenate3A = tpu.concatenate %convert_element_type3A, %convert_element_type3A_34 in 1 : vector<6400x128xbf16>, vector<6400x128xbf16> -> vector<6400x256xbf16>
    %get3A_35 = arith.constant 0 : index
    %get3A_36 = arith.constant 0 : index
    %get3A_37 = vector.load %arg6[%get3A_35, %get3A_36] : memref<256x256xbf16, #tpu.memory_space<vmem>>, vector<256x256xbf16>
    %dot_general3A_38 = arith.constant dense<0.000000e+00> : vector<6400x256xf32>
    %dot_general3A_39 = tpu.matmul %concatenate3A, %get3A_37, %dot_general3A_38 {dimension_numbers = #tpu.dot_dimension_numbers<[1], [0], [0], [1], [0, 0, 1, 1], [], []>, transpose_lhs_hint = false} : vector<6400x256xbf16>, vector<256x256xbf16>, vector<6400x256xf32> -> vector<6400x256xf32>
    %reshape3A_40 = vector.shape_cast %dot_general3A_39 : vector<6400x256xf32> to vector<400x16x256xf32>
    %exp3A = math.exp %reshape3A_40 : vector<400x16x256xf32>
    %reduce_sum3A_41 = arith.constant dense<0.000000e+00> : vector<400x256xf32>
    %reduce_sum3A_42 = vector.multi_reduction <add>, %exp3A, %reduce_sum3A_41 [1] : vector<400x16x256xf32> to vector<400x256xf32>
    %reshape3A_43 = vector.shape_cast %get3A_33 : vector<6400x128xf32> to vector<400x16x128xf32>
    %slice3A = vector.extract_strided_slice %exp3A {offsets = [0, 0, 0], sizes = [400, 16, 128], strides = [1, 1, 1]} : vector<400x16x256xf32> to vector<400x16x128xf32>
    %mul3A_44 = arith.mulf %reshape3A_43, %slice3A : vector<400x16x128xf32>
    %reduce_sum3A_45 = arith.constant dense<0.000000e+00> : vector<400x128xf32>
    %reduce_sum3A_46 = vector.multi_reduction <add>, %mul3A_44, %reduce_sum3A_45 [1] : vector<400x16x128xf32> to vector<400x128xf32>
    %reshape3A_47 = vector.shape_cast %max3A_30 : vector<6400x128xf32> to vector<400x16x128xf32>
    %slice3A_48 = vector.extract_strided_slice %exp3A {offsets = [0, 0, 128], sizes = [400, 16, 128], strides = [1, 1, 1]} : vector<400x16x256xf32> to vector<400x16x128xf32>
    %mul3A_49 = arith.mulf %reshape3A_47, %slice3A_48 : vector<400x16x128xf32>
    %reduce_sum3A_50 = arith.constant dense<0.000000e+00> : vector<400x128xf32>
    %reduce_sum3A_51 = vector.multi_reduction <add>, %mul3A_49, %reduce_sum3A_50 [1] : vector<400x16x128xf32> to vector<400x128xf32>
    %concatenate3A_52 = tpu.concatenate %reduce_sum3A_46, %reduce_sum3A_51 in 1 : vector<400x128xf32>, vector<400x128xf32> -> vector<400x256xf32>
    %div3A = arith.divf %concatenate3A_52, %reduce_sum3A_42 : vector<400x256xf32>
    %get3A_53 = arith.constant 0 : index
    %get3A_54 = arith.constant 0 : index
    %get3A_55 = vector.load %arg7[%get3A_53, %get3A_54] : memref<256x128xf32, #tpu.memory_space<vmem>>, vector<256x128xf32>
    %dot_general3A_56 = arith.constant dense<0.000000e+00> : vector<400x128xf32>
    %dot_general3A_57 = tpu.matmul %div3A, %get3A_55, %dot_general3A_56 {dimension_numbers = #tpu.dot_dimension_numbers<[1], [0], [0], [1], [0, 0, 1, 1], [], []>, transpose_lhs_hint = false} : vector<400x256xf32>, vector<256x128xf32>, vector<400x128xf32> -> vector<400x128xf32>
    %swap3A = arith.constant 0 : index
    %swap3A_58 = arith.constant 0 : index
    %swap3A_59 = vector.load %arg8[%swap3A, %swap3A_58] : memref<400x128xf32, #tpu.memory_space<vmem>>, vector<400x128xf32>
    tpu.vector_store %arg8[%swap3A, %swap3A_58], %dot_general3A_57 {strides = array<i32>} : memref<400x128xf32, #tpu.memory_space<vmem>>, vector<400x128xf32>,
    %reduce_sum3A_60 = arith.constant dense<0.000000e+00> : vector<128xf32>
    %reduce_sum3A_61 = vector.multi_reduction <add>, %dot_general3A_57, %reduce_sum3A_60 [0] : vector<400x128xf32> to vector<128xf32>
    %broadcast_in_dim3A_62 = vector.shape_cast %reduce_sum3A_61 : vector<128xf32> to vector<1x128xf32>
    %mul3A_63 = arith.mulf %dot_general3A_57, %dot_general3A_57 : vector<400x128xf32>
    %reduce_sum3A_64 = arith.constant dense<0.000000e+00> : vector<128xf32>
    %reduce_sum3A_65 = vector.multi_reduction <add>, %mul3A_63, %reduce_sum3A_64 [0] : vector<400x128xf32> to vector<128xf32>
    %broadcast_in_dim3A_66 = vector.shape_cast %reduce_sum3A_65 : vector<128xf32> to vector<1x128xf32>
    %concatenate3A_67 = tpu.concatenate %broadcast_in_dim3A_62, %broadcast_in_dim3A_66 in 0 : vector<1x128xf32>, vector<1x128xf32> -> vector<2x128xf32>
    %eq3A_68 = arith.constant 0 : i32
    %eq3A_69 = arith.cmpi eq, %arg0, %eq3A_68 : i32
    %convert_element_type3A_70 = arith.extui %eq3A_69 : i1 to i32
    %cond3A = arith.constant 0 : i32
    %cond3A_71 = arith.cmpi ne, %convert_element_type3A_70, %cond3A : i32
    scf.if %cond3A_71 {
      %broadcast_in_dim3A_79 = arith.constant 0.000000e+00 : f32
      %broadcast_in_dim3A_80 = vector.broadcast %broadcast_in_dim3A_79 : f32 to vector<8x128xf32>
      %swap3A_81 = arith.constant 0 : index
      %swap3A_82 = arith.constant 0 : index
      %swap3A_83 = vector.load %arg9[%swap3A_81, %swap3A_82] : memref<8x128xf32, #tpu.memory_space<vmem>>, vector<8x128xf32>
      tpu.vector_store %arg9[%swap3A_81, %swap3A_82], %broadcast_in_dim3A_80 {strides = array<i32>} : memref<8x128xf32, #tpu.memory_space<vmem>>, vector<8x128xf32>,
    } else {
    }
    %get3A_72 = arith.constant 0 : index
    %get3A_73 = arith.constant 0 : index
    %get3A_74 = vector.load %arg9[%get3A_72, %get3A_73] : memref<8x128xf32, #tpu.memory_space<vmem>>, vector<2x128xf32>
    %add3A_75 = arith.addf %get3A_74, %concatenate3A_67 : vector<2x128xf32>
    %swap3A_76 = arith.constant 0 : index
    %swap3A_77 = arith.constant 0 : index
    %swap3A_78 = vector.load %arg9[%swap3A_76, %swap3A_77] : memref<8x128xf32, #tpu.memory_space<vmem>>, vector<2x128xf32>
    tpu.vector_store %arg9[%swap3A_76, %swap3A_77], %add3A_75 {strides = array<i32>} : memref<8x128xf32, #tpu.memory_space<vmem>>, vector<2x128xf32>,
    return
  }
  func.func @transform_0(%arg0: i32) -> (i32, i32) {
    %c0_i32 = arith.constant 0 : i32
    %c0_i32_0 = arith.constant 0 : i32
    return %arg0, %c0_i32 : i32, i32
  }
  func.func @transform_1(%arg0: i32) -> (i32, i32) {
    %c0_i32 = arith.constant 0 : i32
    %c0_i32_0 = arith.constant 0 : i32
    return %arg0, %c0_i32 : i32, i32
  }
  func.func @transform_2(%arg0: i32) -> (i32, i32) {
    %c0_i32 = arith.constant 0 : i32
    %c0_i32_0 = arith.constant 0 : i32
    return %arg0, %c0_i32 : i32, i32
  }
  func.func @transform_3(%arg0: i32) -> (i32, i32) {
    %c0_i32 = arith.constant 0 : i32
    %c0_i32_0 = arith.constant 0 : i32
    %c0_i32_1 = arith.constant 0 : i32
    return %c0_i32, %c0_i32_0 : i32, i32
  }
  func.func @transform_4(%arg0: i32) -> (i32, i32) {
    %c0_i32 = arith.constant 0 : i32
    %c0_i32_0 = arith.constant 0 : i32
    %c0_i32_1 = arith.constant 0 : i32
    return %c0_i32, %c0_i32_0 : i32, i32
  }
  func.func @transform_5(%arg0: i32) -> (i32, i32) {
    %c0_i32 = arith.constant 0 : i32
    %c0_i32_0 = arith.constant 0 : i32
    %c0_i32_1 = arith.constant 0 : i32
    return %c0_i32, %c0_i32_0 : i32, i32
  }
  func.func @transform_6(%arg0: i32) -> (i32, i32) {
    %c0_i32 = arith.constant 0 : i32
    %c0_i32_0 = arith.constant 0 : i32
    %c0_i32_1 = arith.constant 0 : i32
    return %c0_i32, %c0_i32_0 : i32, i32
  }
  func.func @transform_7(%arg0: i32) -> (i32, i32) {
    %c0_i32 = arith.constant 0 : i32
    %c0_i32_0 = arith.constant 0 : i32
    return %arg0, %c0_i32 : i32, i32
  }
  func.func @transform_8(%arg0: i32) -> (i32, i32) {
    %c0_i32 = arith.constant 0 : i32
    %c0_i32_0 = arith.constant 0 : i32
    %c0_i32_1 = arith.constant 0 : i32
    return %c0_i32, %c0_i32_0 : i32, i32
  }
}

module attributes {stable_mosaic.version = 14 : i64} {
  func.func @_k3_body(%arg0: i32, %arg1: memref<1x10000x128xf32, #tpu.memory_space<vmem>>, %arg2: memref<8x128xf32, #tpu.memory_space<vmem>>, %arg3: memref<1x128xf32, #tpu.memory_space<vmem>>, %arg4: memref<1x128xf32, #tpu.memory_space<vmem>>, %arg5: memref<1x128x10000xf32, #tpu.memory_space<vmem>>) attributes {dimension_semantics = [#tpu.dimension_semantics<arbitrary>], iteration_bounds = array<i64: 2>, scalar_prefetch = 0 : i64, scratch_operands = 0 : i64, tpu.core_type = #tpu.core_type<tc>, window_params = [{transform_indices = @transform_0, window_bounds = array<i64: 1, 10000, 128>}, {pipeline_mode = #tpu.pipeline_mode<synchronous>, transform_indices = @transform_1, window_bounds = array<i64: 8, 128>}, {pipeline_mode = #tpu.pipeline_mode<synchronous>, transform_indices = @transform_2, window_bounds = array<i64: 1, 128>}, {pipeline_mode = #tpu.pipeline_mode<synchronous>, transform_indices = @transform_3, window_bounds = array<i64: 1, 128>}, {transform_indices = @transform_4, window_bounds = array<i64: 1, 128, 10000>}]} {
    %get3A = arith.constant 0 : index
    %get3A_0 = arith.constant 0 : index
    %get3A_1 = vector.load %arg2[%get3A, %get3A_0] : memref<8x128xf32, #tpu.memory_space<vmem>>, vector<1x128xf32>
    %div3A = arith.constant 2.000000e+04 : f32
    %div3A_2 = vector.broadcast %div3A : f32 to vector<1x128xf32>
    %div3A_3 = arith.divf %get3A_1, %div3A_2 : vector<1x128xf32>
    %get3A_4 = arith.constant 1 : index
    %get3A_5 = arith.constant 0 : index
    %get3A_6 = vector.load %arg2[%get3A_4, %get3A_5] : memref<8x128xf32, #tpu.memory_space<vmem>>, vector<1x128xf32>
    %div3A_7 = arith.constant 2.000000e+04 : f32
    %div3A_8 = vector.broadcast %div3A_7 : f32 to vector<1x128xf32>
    %div3A_9 = arith.divf %get3A_6, %div3A_8 : vector<1x128xf32>
    %mul3A = arith.mulf %div3A_3, %div3A_3 : vector<1x128xf32>
    %sub3A = arith.subf %div3A_9, %mul3A : vector<1x128xf32>
    %get3A_10 = arith.constant 0 : index
    %get3A_11 = arith.constant 0 : index
    %get3A_12 = vector.load %arg3[%get3A_10, %get3A_11] : memref<1x128xf32, #tpu.memory_space<vmem>>, vector<1x128xf32>
    %add3A = arith.constant 9.99999974E-6 : f32
    %add3A_13 = vector.broadcast %add3A : f32 to vector<1x128xf32>
    %add3A_14 = arith.addf %sub3A, %add3A_13 : vector<1x128xf32>
    %rsqrt3A = math.rsqrt %add3A_14 : vector<1x128xf32>
    %mul3A_15 = arith.mulf %get3A_12, %rsqrt3A : vector<1x128xf32>
    %get3A_16 = arith.constant 0 : index
    %get3A_17 = arith.constant 0 : index
    %get3A_18 = vector.load %arg4[%get3A_16, %get3A_17] : memref<1x128xf32, #tpu.memory_space<vmem>>, vector<1x128xf32>
    %mul3A_19 = arith.mulf %div3A_3, %mul3A_15 : vector<1x128xf32>
    %sub3A_20 = arith.subf %get3A_18, %mul3A_19 : vector<1x128xf32>
    %get3A_21 = arith.constant 0 : index
    %get3A_22 = arith.constant 0 : index
    %get3A_23 = arith.constant 0 : index
    %get3A_24 = vector.load %arg1[%get3A_21, %get3A_22, %get3A_23] : memref<1x10000x128xf32, #tpu.memory_space<vmem>>, vector<1x10000x128xf32>
    %get3A_25 = vector.shape_cast %get3A_24 : vector<1x10000x128xf32> to vector<10000x128xf32>
    %mul3A_26 = vector.broadcast %mul3A_15 : vector<1x128xf32> to vector<10000x128xf32>
    %mul3A_27 = arith.mulf %get3A_25, %mul3A_26 : vector<10000x128xf32>
    %add3A_28 = vector.broadcast %sub3A_20 : vector<1x128xf32> to vector<10000x128xf32>
    %add3A_29 = arith.addf %mul3A_27, %add3A_28 : vector<10000x128xf32>
    %max3A = arith.constant 0.000000e+00 : f32
    %max3A_30 = vector.broadcast %max3A : f32 to vector<10000x128xf32>
    %max3A_31 = arith.maximumf %add3A_29, %max3A_30 : vector<10000x128xf32>
    %transpose3A = tpu.transpose %max3A_31, [1, 0] : vector<10000x128xf32> -> vector<128x10000xf32>
    %swap3A = arith.constant 0 : index
    %swap3A_32 = arith.constant 0 : index
    %swap3A_33 = arith.constant 0 : index
    %swap3A_34 = vector.load %arg5[%swap3A, %swap3A_32, %swap3A_33] : memref<1x128x10000xf32, #tpu.memory_space<vmem>>, vector<1x128x10000xf32>
    %swap3A_35 = vector.shape_cast %swap3A_34 : vector<1x128x10000xf32> to vector<128x10000xf32>
    %swap3A_36 = vector.shape_cast %transpose3A : vector<128x10000xf32> to vector<1x128x10000xf32>
    tpu.vector_store %arg5[%swap3A, %swap3A_32, %swap3A_33], %swap3A_36 {strides = array<i32>} : memref<1x128x10000xf32, #tpu.memory_space<vmem>>, vector<1x128x10000xf32>,
    return
  }
  func.func @transform_0(%arg0: i32) -> (i32, i32, i32) {
    %c0_i32 = arith.constant 0 : i32
    %c0_i32_0 = arith.constant 0 : i32
    %c0_i32_1 = arith.constant 0 : i32
    return %arg0, %c0_i32, %c0_i32_0 : i32, i32, i32
  }
  func.func @transform_1(%arg0: i32) -> (i32, i32) {
    %c0_i32 = arith.constant 0 : i32
    %c0_i32_0 = arith.constant 0 : i32
    %c0_i32_1 = arith.constant 0 : i32
    return %c0_i32, %c0_i32_0 : i32, i32
  }
  func.func @transform_2(%arg0: i32) -> (i32, i32) {
    %c0_i32 = arith.constant 0 : i32
    %c0_i32_0 = arith.constant 0 : i32
    %c0_i32_1 = arith.constant 0 : i32
    return %c0_i32, %c0_i32_0 : i32, i32
  }
  func.func @transform_3(%arg0: i32) -> (i32, i32) {
    %c0_i32 = arith.constant 0 : i32
    %c0_i32_0 = arith.constant 0 : i32
    %c0_i32_1 = arith.constant 0 : i32
    return %c0_i32, %c0_i32_0 : i32, i32
  }
  func.func @transform_4(%arg0: i32) -> (i32, i32, i32) {
    %c0_i32 = arith.constant 0 : i32
    %c0_i32_0 = arith.constant 0 : i32
    %c0_i32_1 = arith.constant 0 : i32
    return %arg0, %c0_i32, %c0_i32_0 : i32, i32, i32
  }
}

</mosaic_0001>

<sc_bundles>
// kernel: kernel.10.cloned.1.call-start
scs
__scs_entry_jumppad:
0x0: {  	(pc) =	sbr.rel $0x88, $3  }
0x1: {  	(tag) =	ssettag $0x0;
	lr =	simm.s32 $0x1  }
0x2: {  	[smem:$0x3F96] =	sst lr;
	_ =	strace $0xD0000000  }
0x3: {  	_ = 	snop  }
0x4: {  	_ = 	snop  }
0x5: {  	_ = 	snop  }
0x6: {  	_ = 	snop  }
0x7: {  	_ = 	snop  }
__scs_overlays_trampoline_lowered:
0x8: {  	[smem:$0x3FA5] =	sst s0  }
0x9: {  	[smem:$0x3FA6] =	sst s1  }
0xa: {  	[smem:$0x3FA7] =	sst s2  }
0xb: {  	[smem:$0x3FA8] =	sst s3  }
0xc: {  	[smem:$0x3FA9] =	sst s4  }
0xd: {  	[smem:$0x3FAA] =	sst s5  }
0xe: {  	[smem:$0x3FAB] =	sst s6  }
0xf: {  	[smem:$0x3FAC] =	sst s7  }
0x10: {  	[smem:$0x3FAD] =	sst s8  }
0x11: {  	[smem:$0x3FAE] =	sst s9;
	s0 =	simm.s32 @!p0 $0x0  }
0x12: {  	s1 =	sld [smem:$0x3F94];
	s0 =	simm.s32 @p0 $0x1  }
0x13: {  	[smem:$0x3FAF] =	sst s0;
	s0 =	simm.s32 @!p1 $0x0  }
0x14: {  	s2 =	sld [smem:$0x3F93];
	s0 =	simm.s32 @p1 $0x1  }
0x15: {  	[smem:$0x3FB0] =	sst s0;
	s0 =	simm.s32 @!p2 $0x0  }
0x16: {  	s3 =	sld [smem:$0x3FDB];
	s0 =	simm.s32 @p2 $0x1  }
0x17: {  	s4 =	simm.s32 $0x1BF5;
	[smem:$0x3FB2] =	sst s0  }
0x18: {  	s0 =	sld [smem:$0x3F95];
	_ =	swait.ge [sflag:s4], $0x0  }
0x19: {  	s7 =	sld [smem:$0x3F96]  }
0x1a: {  	s8 =	sadd.s32 $0xFFFFE003, lr  }
0x1b: {  	s9 =	sadd.s32 $0xFFFFFEF7, lr;
	s5 =	simm.s32 $0xFFFFFFFF;
	p2 =	slt.u32 s8, $0xFFFFF086  }
0x1c: {  	p1 =	slt.u32 s9, $0xF7A;
	s5 =	simm.s32 @!p2 $0x0  }
0x1d: {  	s5 =	simm.s32 @p1 $0x1;
	p0 =	seq.s32 s7, s2  }
0x1e: {  	s7 =	smul.u32 @!p0 $0xF7A, s2;
	p2 =	seq.s32 @!p0 s5, $0x0  }
0x1f: {  	s9 =	smul.u32 $0xF7A, s1;
	s8 =	simm.s32 @!p0 $0x1BF5;
	p2 =	por !p2, p0  }
0x20: {  	[sflag:s8] =	ssyncset.s32 @!p0 $0xFFFFF086;
	s6 =	sadd.s32 @!p0 s3, s7;
	s7 =	simm.s32 @!p0 $0x108  }
0x21: {  	s3 =	sadd.s32 s3, s9;
	s6 =	sadd.s32 @!p0 $0x88, s6;
	s7 =	simm.s32 @p2 $0x1082  }
0x22: {  	[simem:s7], [sflag:s8] =	dma.local @!p0 [hbm:s6], $0xF7A  }
0x23: {  	s9 =	sor.u32 $0xD0000000, s2;
	s6 =	simm.s32 $0x108;
	_ =	swait.ge @!p0 [sflag:s8], $0x0  }
0x24: {  	s3 =	sadd.s32 $0x88, s3;
	s6 =	simm.s32 @!p1 $0x1082;
	[sflag:s4] =	ssyncset.s32 $0xFFFFF086  }
0x25: {  	[simem:s6], [sflag:s4] =	dma.local [hbm:s3], $0xF7A  }
0x26: {  	[smem:$0x3F96] =	sst s1;
	(tag) =	ssettag s2;
	_ =	strace s9  }
0x27: {  	s1 =	sld [smem:$0x3FA6]  }
0x28: {  	s2 =	sld [smem:$0x3FA7]  }
0x29: {  	s4 =	sld [smem:$0x3FA9]  }
0x2a: {  	p0 =	seq.s32 s5, $0x0;
	s5 =	sld [smem:$0x3FAA]  }
0x2b: {  	s6 =	sld [smem:$0x3FAB]  }
0x2c: {  	s7 =	sld [smem:$0x3FAC]  }
0x2d: {  	s3 =	simm.s32 $0x108;
	s8 =	sld [smem:$0x3FAD]  }
0x2e: {  	s3 =	simm.s32 @!p0 $0x1082;
	s9 =	sld [smem:$0x3FAE]  }
0x2f: {  	lr =	sadd.s32 s0, s3;
	s0 =	sld [smem:$0x3FA5]  }
0x30: {  	s3 =	sld [smem:$0x3FA8]  }
0x31: {  	[smem:$0x3FB1] =	sst s10  }
0x32: {  	s10 =	sld [smem:$0x3FAF];
	_ =	sdelay $0x3  }
0x33: {  	p0 =	seq.s32 s10, $0x1;
	s10 =	sld [smem:$0x3FB1];
	_ =	sdelay $0x3  }
0x34: {  	[smem:$0x3FB1] =	sst s10  }
0x35: {  	s10 =	sld [smem:$0x3FB0];
	_ =	sdelay $0x3  }
0x36: {  	p1 =	seq.s32 s10, $0x1;
	s10 =	sld [smem:$0x3FB1];
	_ =	sdelay $0x3  }
0x37: {  	[smem:$0x3FB1] =	sst s10  }
0x38: {  	s10 =	sld [smem:$0x3FB2]  }
0x39: {  	_ = 	snop;
	(pc) =	sbr.ind lr, $3  }
0x3a: {  	_ = 	snop  }
0x3b: {  	_ = 	snop  }
0x3c: {  	p2 =	seq.s32 s10, $0x1;
	s10 =	sld [smem:$0x3FB1]  }
0x3d: {  	_ =	shalt  }
0x3e: {  	_ =	shalt  }
0x3f: {  	_ =	shalt  }
0x40: {  	_ =	shalt  }
0x41: {  	_ =	shalt  }
0x42: {  	_ =	shalt  }
0x43: {  	_ =	shalt  }
0x44: {  	_ =	shalt  }
0x45: {  	_ =	shalt  }
0x46: {  	_ =	shalt  }
0x47: {  	_ =	shalt  }
0x48: {  	_ =	shalt  }
0x49: {  	_ =	shalt  }
0x4a: {  	_ =	shalt  }
0x4b: {  	_ =	shalt  }
0x4c: {  	_ =	shalt  }
0x4d: {  	_ =	shalt  }
0x4e: {  	_ =	shalt  }
0x4f: {  	_ =	shalt  }
0x50: {  	_ =	shalt  }
0x51: {  	_ =	shalt  }
0x52: {  	_ =	shalt  }
0x53: {  	_ =	shalt  }
0x54: {  	_ =	shalt  }
0x55: {  	_ =	shalt  }
0x56: {  	_ =	shalt  }
0x57: {  	_ =	shalt  }
0x58: {  	_ =	shalt  }
0x59: {  	_ =	shalt  }
0x5a: {  	_ =	shalt  }
0x5b: {  	_ =	shalt  }
0x5c: {  	_ =	shalt  }
0x5d: {  	_ =	shalt  }
0x5e: {  	_ =	shalt  }
0x5f: {  	_ =	shalt  }
0x60: {  	_ =	shalt  }
0x61: {  	_ =	shalt  }
0x62: {  	_ =	shalt  }
0x63: {  	_ =	shalt  }
0x64: {  	_ =	shalt  }
0x65: {  	_ =	shalt  }
0x66: {  	_ =	shalt  }
0x67: {  	_ =	shalt  }
0x68: {  	_ =	shalt  }
0x69: {  	_ =	shalt  }
0x6a: {  	_ =	shalt  }
0x6b: {  	_ =	shalt  }
0x6c: {  	_ =	shalt  }
0x6d: {  	_ =	shalt  }
0x6e: {  	_ =	shalt  }
0x6f: {  	_ =	shalt  }
0x70: {  	_ =	shalt  }
0x71: {  	_ =	shalt  }
0x72: {  	_ =	shalt  }
0x73: {  	_ =	shalt  }
0x74: {  	_ =	shalt  }
0x75: {  	_ =	shalt  }
0x76: {  	_ =	shalt  }
0x77: {  	_ =	shalt  }
0x78: {  	_ =	shalt  }
0x79: {  	_ =	shalt  }
0x7a: {  	_ =	shalt  }
0x7b: {  	_ =	shalt  }
0x7c: {  	_ =	shalt  }
0x7d: {  	_ =	shalt  }
0x7e: {  	_ =	shalt  }
0x7f: {  	_ =	shalt  }
0x80: {  	_ =	shalt  }
0x81: {  	_ =	shalt  }
0x82: {  	_ =	shalt  }
0x83: {  	_ =	shalt  }
0x84: {  	_ =	shalt  }
0x85: {  	_ =	shalt  }
0x86: {  	_ =	shalt  }
0x87: {  	_ =	shalt  }
.Lfunc_end0:
.L_simem_size_0:
called_computation.1_lowered:
.L_overlay_start_0:
0x88: {  	s2 =	sld [smem:$0x3FD9]  }
0x89: {  	s3 =	sld [smem:$0x3FFE];
	_ =	sdelay $0x1  }
0x8a: {  	s1 =	srdreg.scid  }
0x8b: {  	s0 =	sand.u32 $0x1, s1  }
0x8c: {  	s17 =	sshll.u32 s0, $0xA;
	s2 =	sadd.s32 s3, s2  }
0x8d: {  	s2 =	sadd.s32 s2, s17  }
0x8e: {  	[smem:$0x3FBD] =	sst s2  }
0x8f: {  	_ = 	snop  }
0x90: {  	s18 =	sld [smem:$0x3FC7];
	(tm) =	ssettm $0x1  }
0x91: {  	s19 =	sld [smem:$0x3FFB];
	_ =	sdelay $0x3  }
0x92: {  	_ =	strace s19  }
0x93: {  	s2 =	sld [smem:$0x3FFC];
	_ =	sdelay $0x3  }
0x94: {  	_ =	strace s2  }
0x95: {  	s2 =	sld [smem:$0x3FFD];
	_ =	sdelay $0x3  }
0x96: {  	_ =	strace s2  }
0x97: {  	_ =	strace $0x8FFFFFFF  }
0x98: {  	s20 =	sld [smem:$0x3FDB];
	_ =	sdelay $0x1  }
0x99: {  	s4 =	simm.s32 $_scs_section_size  }
0x9a: {  	s5 =	simm.s32 $_size__tile_overlayer_lowered;
	s6 =	simm.s32 $_tile_overlayer_lowered  }
0x9b: {  	s7 =	simm.s32 $0x1BFF;
	s21 =	sshll.u32 s6, $0x1;
	s4 =	sadd.s32 s4, s20  }
0x9c: {  	s22 =	simm.s32 $0x0;
	s5 =	sshll.u32 s5, $0x1;
	s6 =	sadd.s32 s21, s4  }
0x9d: {  	[timem:s22], [sflag:s7] =	dma.local [hbm:s6], s5  }
0x9e: {  	_ =	swait.ge [sflag:s7], s5  }
0x9f: {  	s5 =	ssub.s32 $0x0, s5;
	[sflag:s7] =	ssyncset.done $0x0  }
0xa0: {  	[sflag:s7] =	ssyncadd.s32 s5;
	_ =	sdelay $0x1  }
0xa1: {  	s23 =	simm.s32 $0x1B8B  }
0xa2: {  	_ =	swait.ge [sflag:s23], $0x1  }
0xa3: {  	[sflag:s23] =	ssyncset.done $0x0  }
0xa4: {  	[sflag:s23] =	ssyncadd.s32 $0xFFFFFFFF  }
0xa5: {  	s5 =	sld [smem:$0x0]  }
0xa6: {  	s6 =	sand.u32 $0xFFFFFFFE, s1  }
0xa7: {  	p0 =	sne.s32 s1, s6  }
0xa8: {  	s6 =	sshll.u32 @p0 s6, $0xE  }
0xa9: {  	s6 =	sadd.s32 @p0 $0x11B8D, s6;
	s7 =	sshll.u32 @p0 s5, $0x11  }
0xaa: {  	s6 =	sor.u32 @p0 s7, s6  }
0xab: {  	[sflag:s6] =	ssyncadd.remote.s32 @p0 $0x1;
	_ =	sdelay $0x1  }
0xac: {  	s6 =	simm.s32 @p0 $0x1B8D  }
0xad: {  	_ =	swait.eq @p0 [sflag:s6], $0x1  }
0xae: {  	[sflag:s6] =	ssyncadd.s32 @p0 $0xFFFFFFFF  }
0xaf: {  	s7 =	sshll.u32 @!p0 s1, $0xE  }
0xb0: {  	s7 =	sor.u32 @!p0 $0x4000, s7;
	s6 =	simm.s32 @!p0 $0x1B8D  }
0xb1: {  	s5 =	sshll.u32 @!p0 s5, $0x11;
	s7 =	sadd.s32 @!p0 $0x11B8D, s7;
	_ =	swait.eq @!p0 [sflag:s6], $0x1  }
0xb2: {  	s5 =	sor.u32 @!p0 s5, s7;
	[sflag:s6] =	ssyncadd.s32 @!p0 $0xFFFFFFFF  }
0xb3: {  	s25 =	simm.s32 $0x1B8E;
	s24 =	sld [smem:$0x3FFE];
	[sflag:s5] =	ssyncadd.remote.s32 @!p0 $0x1  }
0xb4: {  	s26 =	simm.s32 $execute0_lowered;
	[smem:$0x3FD2] =	sst s25  }
0xb5: {  	s6 =	sshll.u32 s26, $0x1;
	_ =	strace $0x80000049;
	[dreg:$0x1] =	wrdreg $0xFFFFFFFF  }
0xb6: {  	s28 =	simm.s32 $_size_execute0_lowered;
	s4 =	sadd.s32 s4, s6;
	[dreg:$0x0] =	wrdreg $0x0  }
0xb7: {  	s6 =	sshll.u32 s28, $0x1;
	[dreg:$0x2] =	wrdreg s4  }
0xb8: {  	[dreg:$0x3] =	wrdreg s6  }
0xb9: {  	[dreg:$0x4] =	wrdreg $0xC0  }
0xba: {  	_ =	task [dreg:s22], $0x5FFFF  }
0xbb: {  	[dreg:$0x1] =	wrdreg $0xFFFFFFFF  }
0xbc: {  	[dreg:$0x0] =	wrdreg $0x60  }
0xbd: {  	[dreg:$0x2] =	wrdreg s18  }
0xbe: {  	[dreg:$0x3] =	wrdreg s24  }
0xbf: {  	[dreg:$0x4] =	wrdreg $0xA  }
0xc0: {  	_ =	task.clear_ibuf [dreg:s22], $0x5FFFF;
	_ =	strace $0x90000049  }
0xc1: {  	s29 =	simm.s32 $0xA;
	_ =	strace $0x8000004B  }
0xc2: {  	_ =	swait.ge [sflag:s29], $0x1  }
0xc3: {  	[sflag:s29] =	ssyncadd.s32 $0xFFFFFFFF  }
0xc4: {  	_ =	strace $0x9000004B  }
0xc5: {  	_ =	sfence  }
0xc6: {  	s30 =	sld [smem:$0x0];
	_ =	sdelay $0x2  }
0xc7: {  	s31 =	sshll.u32 s1, $0xD;
	s1 =	sshrl.u32 s1, $0x2  }
0xc8: {  	s4 =	sand.u32 $0x4000, s31;
	s1 =	sadd.s32 s1, s30  }
0xc9: {  	s0 =	sor.u32 s4, s0;
	s1 =	sshll.u32 s1, $0x11  }
0xca: {  	s0 =	sor.u32 s1, s0  }
0xcb: {  	s0 =	sadd.s32 $0x8F2B, s0  }
0xcc: {  	[sflag:s0] =	ssyncadd.remote.s32 $0x1  }
0xcd: {  	_ =	sfence.sel $0xFFFF  }
0xce: {  	[dreg:$0x0] =	wrdreg $0xFFFFFFFF;
	(pc) =	sbr.abs _section_cstart, $3  }
0xcf: {  	[dreg:$0x1] =	wrdreg $0xFFFFFFFF  }
0xd0: {  	_ =	task.clear_ibuf [dreg:s22], $0x2FFFF;
	_ =	strace $0x9FFFFFFF  }
0xd1: {  	(tm) =	ssettm $0x7FFFFFFF  }
tec
execute0_lowered:
.L_overlay_start_1:
0x0: {  	(tag) =	ssettag $0x1  }
0x1: {  	s2 =	rddreg [dreg:$0x0]  }
0x2: {  	s1 =	srdreg.scid;
	s0 =	stileid.u32  }
0x3: {  	s4 =	rddreg [dreg:$0x1];
	s3 =	simm.s32 $0x0;
	s13 =	simm.s32 $0x8B80  }
0x4: {  	s14 =	simm.s32 $0x2;
	s15 =	simm.s32 $0x3;
	s16 =	simm.s32 $0x4  }
0x5: {  	s5 =	sand.u32 $0x1, s1;
	s6 =	sshll.u32 s0, $0x1;
	s30 =	smul.u32 $0x4E200, s0  }
0x6: {  	s1 =	rddreg [dreg:$0x2];
	s6 =	sor.u32 s5, s6;
	s12 =	smul.u32 $0x27100, s5  }
0x7: {  	s17 =	simm.s32 $0x0;
	[smem:$0x7FF] =	sst s3;
	s7 =	smul.u32 $0x2710, s6  }
0x8: {  	s11 =	sadd.s32 $0xB2200, s4;
	s8 =	ssub.s32 $0x2, s5;
	s9 =	smul.u32 $0x27100, s6  }
0x9: {  	_ =	strace $0x8000004A;
	s10 =	sshrl.u32 s8, $0x1;
	s6 =	smul.u32 $0x138800, s6  }
0xa: {  	s31 =	sadd.s32 s30, s11;
	s8 =	ssub.s32 s8, s10;
	s10 =	simm.s32 $0xC8  }
0xb: {  	s7 =	sshrl.u32 s7, $0x3;
	s6 =	sshrl.u32 s6, $0x3;
	s5 =	sadd.s32 s11, s9  }
0xc: {  	s9 =	simm.s32 $0x5;
	s7 =	sadd.s32 s7, s4;
	s6 =	sadd.s32 s11, s6  }
0xd: {  	s11 =	simm.s32 $0x2780;
	s4 =	sadd.s32 $0x2200, s7;
	s6 =	sadd.s32 $0xC80, s6  }
0xe: {  	s7 =	smax.u32 s8, $0x1;
	s8 =	sadd.s32 s12, s31;
	s12 =	simm.s32 $0x1  }
.LBB2_1:
0xf: {  	[tilespmem:s3], [sflag:$0x5] =	stream.linear.gather [hbm4b:s4+s3], $0x2710, $0x38;
	[tilespmem:$0xEF80] =	vst v63  }
0x10: {  	_ =	swait.ge [sflag:s9], $0x2710  }
0x11: {  	[sflag:s9] =	ssyncset.done $0x0  }
0x12: {  	[sflag:s9] =	ssyncadd.s32 $0xFFFFD8F0  }
0x13: {  	[tilespmem:s11], [sflag:$0x1] =	stream.indirect.gather [hbm4b:s2+s10], $0x80, s3, s10, $0xb8;
	[tilespmem:$0xEF80] =	vst v63  }
0x14: {  	_ =	swait.ge [sflag:s12], $0x6400  }
0x15: {  	[sflag:s12] =	ssyncset.done $0x0  }
0x16: {  	[sflag:s12] =	ssyncadd.s32 $0xFFFF9C00  }
0x17: {  	[hbm4b:s5+s3] =	stream.linear.scatter [tilespmem:s11], [sflag:$0x3], $0x6400, $0x38;
	[tilespmem:$0xEF80] =	vst v63  }
0x18: {  	_ = 	snop  }
0x19: {  	[tilespmem:s13], [sflag:$0x2] =	stream.indirect.gather [hbm4b:s2+s10], $0x80, s10, s10, $0xb8;
	[tilespmem:$0xEF80] =	vst v63  }
0x1a: {  	_ =	swait.ge [sflag:s14], $0x6400  }
0x1b: {  	[sflag:s14] =	ssyncset.done $0x0  }
0x1c: {  	[sflag:s14] =	ssyncadd.s32 $0xFFFF9C00  }
0x1d: {  	[hbm4b:s6+s3] =	stream.linear.scatter [tilespmem:s13], [sflag:$0x4], $0x6400, $0x38;
	[tilespmem:$0xEF80] =	vst v63  }
0x1e: {  	_ =	swait.ge [sflag:s15], $0x6400  }
0x1f: {  	[sflag:s15] =	ssyncset.done $0x0  }
0x20: {  	s18 =	simm.s32 $0x190;
	[sflag:s15] =	ssyncadd.s32 $0xFFFF9C00  }
0x21: {  	[tilespmem:s11], [sflag:$0x1] =	stream.indirect.gather [hbm4b:s2+s10], $0x80, s18, s10, $0xb8;
	[tilespmem:$0xEF80] =	vst v63  }
0x22: {  	_ =	swait.ge [sflag:s12], $0x6400  }
0x23: {  	s19 =	sadd.s32 $0x0, s8;
	[sflag:s12] =	ssyncset.done $0x0  }
0x24: {  	s30 =	sadd.s32 $0x1900, s19;
	[sflag:s12] =	ssyncadd.s32 $0xFFFF9C00  }
0x25: {  	[hbm4b:s30+s3] =	stream.linear.scatter [tilespmem:s11], [sflag:$0x3], $0x6400, $0x38;
	[tilespmem:$0xEF80] =	vst v63  }
0x26: {  	_ =	swait.ge [sflag:s16], $0x6400  }
0x27: {  	[sflag:s16] =	ssyncset.done $0x0  }
0x28: {  	s31 =	simm.s32 $0x258;
	[sflag:s16] =	ssyncadd.s32 $0xFFFF9C00  }
0x29: {  	[tilespmem:s13], [sflag:$0x2] =	stream.indirect.gather [hbm4b:s2+s10], $0x80, s31, s10, $0xb8;
	[tilespmem:$0xEF80] =	vst v63  }
0x2a: {  	_ =	swait.ge [sflag:s14], $0x6400  }
0x2b: {  	s20 =	sadd.s32 $0x2580, s19;
	[sflag:s14] =	ssyncset.done $0x0  }
0x2c: {  	s19 =	simm.s32 $0x3E8;
	s18 =	simm.s32 $0x1900;
	[sflag:s14] =	ssyncadd.s32 $0xFFFF9C00  }
.LBB2_2:
0x2d: {  	[hbm4b:s20+s3] =	stream.linear.scatter [tilespmem:s13], [sflag:$0x4], $0x6400, $0x38;
	[tilespmem:$0xEF80] =	vst v63  }
0x2e: {  	s20 =	smov.u32 s18  }
0x2f: {  	p0 =	sne.s32 s18, $0x23F00;
	s18 =	sadd.s32 $0x1900, s18;
	_ =	swait.ge [sflag:s15], $0x6400  }
0x30: {  	[sflag:s15] =	ssyncset.done $0x0  }
0x31: {  	s21 =	sadd.s32 $0xFFFFFF38, s19;
	[sflag:s15] =	ssyncadd.s32 $0xFFFF9C00  }
0x32: {  	[tilespmem:s11], [sflag:$0x1] =	stream.indirect.gather [hbm4b:s2+s10], $0x80, s21, s10, $0xb8;
	[tilespmem:$0xEF80] =	vst v63  }
0x33: {  	_ =	swait.ge [sflag:s12], $0x6400  }
0x34: {  	s20 =	sadd.s32 s20, s8;
	[sflag:s12] =	ssyncset.done $0x0  }
0x35: {  	s21 =	sadd.s32 $0x1900, s20;
	[sflag:s12] =	ssyncadd.s32 $0xFFFF9C00  }
0x36: {  	[hbm4b:s21+s3] =	stream.linear.scatter [tilespmem:s11], [sflag:$0x3], $0x6400, $0x38;
	[tilespmem:$0xEF80] =	vst v63  }
0x37: {  	_ =	swait.ge [sflag:s16], $0x6400  }
0x38: {  	[sflag:s16] =	ssyncset.done $0x0  }
.Ltmp0:
0x39: {  	[sflag:s16] =	ssyncadd.s32 $0xFFFF9C00;
	(pc) =	sbr.rel @p0 .LBB2_2-.Ltmp0, $4  }
0x3a: {  	[tilespmem:s13], [sflag:$0x2] =	stream.indirect.gather [hbm4b:s2+s10], $0x80, s19, s10, $0xb8;
	[tilespmem:$0xEF80] =	vst v63  }
0x3b: {  	_ =	swait.ge [sflag:s14], $0x6400  }
0x3c: {  	[sflag:s14] =	ssyncset.done $0x0  }
0x3d: {  	s20 =	sadd.s32 $0x2580, s20;
	s19 =	sadd.s32 $0x190, s19;
	[sflag:s14] =	ssyncadd.s32 $0xFFFF9C00  }
0x3e: {  	[hbm4b:s20+s3] =	stream.linear.scatter [tilespmem:s13], [sflag:$0x4], $0x6400, $0x38;
	[tilespmem:$0xEF80] =	vst v63  }
0x3f: {  	s17 =	sadd.s32 $0x1, s17  }
0x40: {  	_ =	swait.ge [sflag:s15], $0x6400;
	p0 =	sne.s32 s17, s7  }
.Ltmp1:
0x41: {  	[sflag:s15] =	ssyncset.done $0x0;
	(pc) =	sbr.rel @p0 .LBB2_1-.Ltmp1, $4  }
0x42: {  	[sflag:s15] =	ssyncadd.s32 $0xFFFF9C00  }
0x43: {  	_ =	swait.ge [sflag:s16], $0x6400  }
0x44: {  	[sflag:s16] =	ssyncset.done $0x0  }
0x45: {  	[sflag:s16] =	ssyncadd.s32 $0xFFFF9C00  }
0x46: {  	_ =	sfence.sel $0x180000  }
0x47: {  	[bflag:$0x0] =	sbarrier.arrive $0xFFFF  }
0x48: {  	p0 =	sne.s32 s0, $0x0;
	_ =	strace $0x9000004A  }
0x49: {  	s0 =	sadd.s32 @!p0 $0x100000, s1;
	[bflag:$0x2] =	sbarrier.arrive $0xFFFF  }
0x4a: {  	[sflag:s0] =	ssyncadd.tile.s32 @!p0 $0x1;
	_ =	shalt  }
.Lfunc_end2:
_tile_overlayer_lowered:
.L_overlay_start_2:
0x4b: {  	(tag) =	ssettag $0x2  }
0x4c: {  	s0 =	rddreg [dreg:$0x0];
	s2 =	stileid.u32  }
0x4d: {  	s1 =	rddreg [dreg:$0x1];
	p0 =	sne.s32 s2, $0x0  }
0x4e: {  	s3 =	rddreg [dreg:$0x2];
	[bflag:$0x3] =	sbarrier.arrive $0xFFFF;
	s2 =	simm.s32 @!p0 $0x1C05  }
0x4f: {  	[timem:s3], [sflag:s2] =	dma.local @!p0 [hbm:s0], s1  }
0x50: {  	s0 =	simm.s32 @!p0 $0x5  }
0x51: {  	_ =	swait.ge @!p0 [sflag:s0], s1  }
0x52: {  	s1 =	ssub.s32 @!p0 $0x0, s1;
	[sflag:s0] =	ssyncset.done @!p0 $0x0  }
0x53: {  	[sflag:s0] =	ssyncadd.s32 @!p0 s1  }
0x54: {  	[bflag:$0x3] =	sbarrier.arrive $0xFFFF  }
0x55: {  	_ =	shalt  }

// kernel: kernel.7.cloned.1.call-start
scs
__scs_entry_jumppad:
0x0: {  	(pc) =	sbr.rel $0x88, $3  }
0x1: {  	(tag) =	ssettag $0x0;
	lr =	simm.s32 $0x1  }
0x2: {  	[smem:$0x3F96] =	sst lr;
	_ =	strace $0xD0000000  }
0x3: {  	_ = 	snop  }
0x4: {  	_ = 	snop  }
0x5: {  	_ = 	snop  }
0x6: {  	_ = 	snop  }
0x7: {  	_ = 	snop  }
__scs_overlays_trampoline_lowered:
0x8: {  	[smem:$0x3FA5] =	sst s0  }
0x9: {  	[smem:$0x3FA6] =	sst s1  }
0xa: {  	[smem:$0x3FA7] =	sst s2  }
0xb: {  	[smem:$0x3FA8] =	sst s3  }
0xc: {  	[smem:$0x3FA9] =	sst s4  }
0xd: {  	[smem:$0x3FAA] =	sst s5  }
0xe: {  	[smem:$0x3FAB] =	sst s6  }
0xf: {  	[smem:$0x3FAC] =	sst s7  }
0x10: {  	[smem:$0x3FAD] =	sst s8  }
0x11: {  	[smem:$0x3FAE] =	sst s9;
	s0 =	simm.s32 @!p0 $0x0  }
0x12: {  	s1 =	sld [smem:$0x3F94];
	s0 =	simm.s32 @p0 $0x1  }
0x13: {  	[smem:$0x3FAF] =	sst s0;
	s0 =	simm.s32 @!p1 $0x0  }
0x14: {  	s2 =	sld [smem:$0x3F93];
	s0 =	simm.s32 @p1 $0x1  }
0x15: {  	[smem:$0x3FB0] =	sst s0;
	s0 =	simm.s32 @!p2 $0x0  }
0x16: {  	s3 =	sld [smem:$0x3FDB];
	s0 =	simm.s32 @p2 $0x1  }
0x17: {  	s4 =	simm.s32 $0x1BF5;
	[smem:$0x3FB2] =	sst s0  }
0x18: {  	s0 =	sld [smem:$0x3F95];
	_ =	swait.ge [sflag:s4], $0x0  }
0x19: {  	s7 =	sld [smem:$0x3F96]  }
0x1a: {  	s8 =	sadd.s32 $0xFFFFE003, lr  }
0x1b: {  	s9 =	sadd.s32 $0xFFFFFEF7, lr;
	s5 =	simm.s32 $0xFFFFFFFF;
	p2 =	slt.u32 s8, $0xFFFFF086  }
0x1c: {  	p1 =	slt.u32 s9, $0xF7A;
	s5 =	simm.s32 @!p2 $0x0  }
0x1d: {  	s5 =	simm.s32 @p1 $0x1;
	p0 =	seq.s32 s7, s2  }
0x1e: {  	s7 =	smul.u32 @!p0 $0xF7A, s2;
	p2 =	seq.s32 @!p0 s5, $0x0  }
0x1f: {  	s9 =	smul.u32 $0xF7A, s1;
	s8 =	simm.s32 @!p0 $0x1BF5;
	p2 =	por !p2, p0  }
0x20: {  	[sflag:s8] =	ssyncset.s32 @!p0 $0xFFFFF086;
	s6 =	sadd.s32 @!p0 s3, s7;
	s7 =	simm.s32 @!p0 $0x108  }
0x21: {  	s3 =	sadd.s32 s3, s9;
	s6 =	sadd.s32 @!p0 $0x88, s6;
	s7 =	simm.s32 @p2 $0x1082  }
0x22: {  	[simem:s7], [sflag:s8] =	dma.local @!p0 [hbm:s6], $0xF7A  }
0x23: {  	s9 =	sor.u32 $0xD0000000, s2;
	s6 =	simm.s32 $0x108;
	_ =	swait.ge @!p0 [sflag:s8], $0x0  }
0x24: {  	s3 =	sadd.s32 $0x88, s3;
	s6 =	simm.s32 @!p1 $0x1082;
	[sflag:s4] =	ssyncset.s32 $0xFFFFF086  }
0x25: {  	[simem:s6], [sflag:s4] =	dma.local [hbm:s3], $0xF7A  }
0x26: {  	[smem:$0x3F96] =	sst s1;
	(tag) =	ssettag s2;
	_ =	strace s9  }
0x27: {  	s1 =	sld [smem:$0x3FA6]  }
0x28: {  	s2 =	sld [smem:$0x3FA7]  }
0x29: {  	s4 =	sld [smem:$0x3FA9]  }
0x2a: {  	p0 =	seq.s32 s5, $0x0;
	s5 =	sld [smem:$0x3FAA]  }
0x2b: {  	s6 =	sld [smem:$0x3FAB]  }
0x2c: {  	s7 =	sld [smem:$0x3FAC]  }
0x2d: {  	s3 =	simm.s32 $0x108;
	s8 =	sld [smem:$0x3FAD]  }
0x2e: {  	s3 =	simm.s32 @!p0 $0x1082;
	s9 =	sld [smem:$0x3FAE]  }
0x2f: {  	lr =	sadd.s32 s0, s3;
	s0 =	sld [smem:$0x3FA5]  }
0x30: {  	s3 =	sld [smem:$0x3FA8]  }
0x31: {  	[smem:$0x3FB1] =	sst s10  }
0x32: {  	s10 =	sld [smem:$0x3FAF];
	_ =	sdelay $0x3  }
0x33: {  	p0 =	seq.s32 s10, $0x1;
	s10 =	sld [smem:$0x3FB1];
	_ =	sdelay $0x3  }
0x34: {  	[smem:$0x3FB1] =	sst s10  }
0x35: {  	s10 =	sld [smem:$0x3FB0];
	_ =	sdelay $0x3  }
0x36: {  	p1 =	seq.s32 s10, $0x1;
	s10 =	sld [smem:$0x3FB1];
	_ =	sdelay $0x3  }
0x37: {  	[smem:$0x3FB1] =	sst s10  }
0x38: {  	s10 =	sld [smem:$0x3FB2]  }
0x39: {  	_ = 	snop;
	(pc) =	sbr.ind lr, $3  }
0x3a: {  	_ = 	snop  }
0x3b: {  	_ = 	snop  }
0x3c: {  	p2 =	seq.s32 s10, $0x1;
	s10 =	sld [smem:$0x3FB1]  }
0x3d: {  	_ =	shalt  }
0x3e: {  	_ =	shalt  }
0x3f: {  	_ =	shalt  }
0x40: {  	_ =	shalt  }
0x41: {  	_ =	shalt  }
0x42: {  	_ =	shalt  }
0x43: {  	_ =	shalt  }
0x44: {  	_ =	shalt  }
0x45: {  	_ =	shalt  }
0x46: {  	_ =	shalt  }
0x47: {  	_ =	shalt  }
0x48: {  	_ =	shalt  }
0x49: {  	_ =	shalt  }
0x4a: {  	_ =	shalt  }
0x4b: {  	_ =	shalt  }
0x4c: {  	_ =	shalt  }
0x4d: {  	_ =	shalt  }
0x4e: {  	_ =	shalt  }
0x4f: {  	_ =	shalt  }
0x50: {  	_ =	shalt  }
0x51: {  	_ =	shalt  }
0x52: {  	_ =	shalt  }
0x53: {  	_ =	shalt  }
0x54: {  	_ =	shalt  }
0x55: {  	_ =	shalt  }
0x56: {  	_ =	shalt  }
0x57: {  	_ =	shalt  }
0x58: {  	_ =	shalt  }
0x59: {  	_ =	shalt  }
0x5a: {  	_ =	shalt  }
0x5b: {  	_ =	shalt  }
0x5c: {  	_ =	shalt  }
0x5d: {  	_ =	shalt  }
0x5e: {  	_ =	shalt  }
0x5f: {  	_ =	shalt  }
0x60: {  	_ =	shalt  }
0x61: {  	_ =	shalt  }
0x62: {  	_ =	shalt  }
0x63: {  	_ =	shalt  }
0x64: {  	_ =	shalt  }
0x65: {  	_ =	shalt  }
0x66: {  	_ =	shalt  }
0x67: {  	_ =	shalt  }
0x68: {  	_ =	shalt  }
0x69: {  	_ =	shalt  }
0x6a: {  	_ =	shalt  }
0x6b: {  	_ =	shalt  }
0x6c: {  	_ =	shalt  }
0x6d: {  	_ =	shalt  }
0x6e: {  	_ =	shalt  }
0x6f: {  	_ =	shalt  }
0x70: {  	_ =	shalt  }
0x71: {  	_ =	shalt  }
0x72: {  	_ =	shalt  }
0x73: {  	_ =	shalt  }
0x74: {  	_ =	shalt  }
0x75: {  	_ =	shalt  }
0x76: {  	_ =	shalt  }
0x77: {  	_ =	shalt  }
0x78: {  	_ =	shalt  }
0x79: {  	_ =	shalt  }
0x7a: {  	_ =	shalt  }
0x7b: {  	_ =	shalt  }
0x7c: {  	_ =	shalt  }
0x7d: {  	_ =	shalt  }
0x7e: {  	_ =	shalt  }
0x7f: {  	_ =	shalt  }
0x80: {  	_ =	shalt  }
0x81: {  	_ =	shalt  }
0x82: {  	_ =	shalt  }
0x83: {  	_ =	shalt  }
0x84: {  	_ =	shalt  }
0x85: {  	_ =	shalt  }
0x86: {  	_ =	shalt  }
0x87: {  	_ =	shalt  }
.Lfunc_end0:
.L_simem_size_0:
called_computation_lowered:
.L_overlay_start_0:
0x88: {  	s2 =	sld [smem:$0x3FD9]  }
0x89: {  	s3 =	sld [smem:$0x3FFE];
	_ =	sdelay $0x1  }
0x8a: {  	s1 =	srdreg.scid  }
0x8b: {  	s0 =	sand.u32 $0x1, s1  }
0x8c: {  	s16 =	sshll.u32 s0, $0xA;
	s2 =	sadd.s32 s3, s2  }
0x8d: {  	s2 =	sadd.s32 s2, s16  }
0x8e: {  	[smem:$0x3FBD] =	sst s2  }
0x8f: {  	_ = 	snop  }
0x90: {  	(tm) =	ssettm $0x1  }
0x91: {  	s17 =	sld [smem:$0x3FFB];
	_ =	sdelay $0x3  }
0x92: {  	_ =	strace s17  }
0x93: {  	s2 =	sld [smem:$0x3FFC];
	_ =	sdelay $0x3  }
0x94: {  	_ =	strace s2  }
0x95: {  	s2 =	sld [smem:$0x3FFD];
	_ =	sdelay $0x3  }
0x96: {  	_ =	strace s2  }
0x97: {  	_ =	strace $0x8FFFFFFF  }
0x98: {  	s18 =	sld [smem:$0x3FDB];
	_ =	sdelay $0x1  }
0x99: {  	s19 =	simm.s32 $_scs_section_size  }
0x9a: {  	s4 =	simm.s32 $_size__tile_overlayer_lowered;
	s5 =	simm.s32 $_tile_overlayer_lowered  }
0x9b: {  	s22 =	simm.s32 $0x1BFF;
	s21 =	sshll.u32 s5, $0x1;
	s2 =	sadd.s32 s19, s18  }
0x9c: {  	s6 =	simm.s32 $0x0;
	s20 =	sshll.u32 s4, $0x1;
	s4 =	sadd.s32 s21, s2  }
0x9d: {  	[timem:s6], [sflag:s22] =	dma.local [hbm:s4], s20  }
0x9e: {  	_ =	swait.ge [sflag:s22], s20  }
0x9f: {  	s3 =	ssub.s32 $0x0, s20;
	[sflag:s22] =	ssyncset.done $0x0  }
0xa0: {  	[sflag:s22] =	ssyncadd.s32 s3;
	_ =	sdelay $0x1  }
0xa1: {  	s23 =	simm.s32 $0x1B8B  }
0xa2: {  	_ =	swait.ge [sflag:s23], $0x1  }
0xa3: {  	[sflag:s23] =	ssyncset.done $0x0  }
0xa4: {  	s25 =	simm.s32 $0x1B8E;
	s24 =	sld [smem:$0x3FFE];
	[sflag:s23] =	ssyncadd.s32 $0xFFFFFFFF  }
0xa5: {  	s26 =	simm.s32 $execute0_lowered;
	[smem:$0x3FD2] =	sst s25  }
0xa6: {  	s4 =	sshll.u32 s26, $0x1;
	_ =	strace $0x80000046;
	[dreg:$0x1] =	wrdreg $0xFFFFFFFF  }
0xa7: {  	s28 =	simm.s32 $_size_execute0_lowered;
	s2 =	sadd.s32 s2, s4;
	[dreg:$0x0] =	wrdreg $0x0  }
0xa8: {  	s4 =	sshll.u32 s28, $0x1;
	[dreg:$0x2] =	wrdreg s2  }
0xa9: {  	[dreg:$0x3] =	wrdreg s4  }
0xaa: {  	[dreg:$0x4] =	wrdreg $0xC0  }
0xab: {  	_ =	task [dreg:s6], $0x5FFFF  }
0xac: {  	[dreg:$0x1] =	wrdreg $0xFFFFFFFF  }
0xad: {  	[dreg:$0x0] =	wrdreg $0x60  }
0xae: {  	[dreg:$0x2] =	wrdreg s24  }
0xaf: {  	[dreg:$0x3] =	wrdreg $0x9  }
0xb0: {  	_ =	task.clear_ibuf [dreg:s6], $0x4FFFF;
	_ =	strace $0x90000046  }
0xb1: {  	s29 =	simm.s32 $0x9;
	_ =	strace $0x80000048  }
0xb2: {  	_ =	swait.ge [sflag:s29], $0x1  }
0xb3: {  	[sflag:s29] =	ssyncadd.s32 $0xFFFFFFFF  }
0xb4: {  	_ =	strace $0x90000048  }
0xb5: {  	_ =	sfence  }
0xb6: {  	s30 =	sld [smem:$0x0];
	_ =	sdelay $0x2  }
0xb7: {  	s31 =	sshll.u32 s1, $0xD;
	s1 =	sshrl.u32 s1, $0x2  }
0xb8: {  	s3 =	sand.u32 $0x4000, s31;
	s1 =	sadd.s32 s1, s30  }
0xb9: {  	s0 =	sor.u32 s3, s0;
	s1 =	sshll.u32 s1, $0x11  }
0xba: {  	s0 =	sor.u32 s1, s0  }
0xbb: {  	s0 =	sadd.s32 $0x8F2B, s0  }
0xbc: {  	[sflag:s0] =	ssyncadd.remote.s32 $0x1  }
0xbd: {  	_ =	sfence.sel $0xFFFF  }
0xbe: {  	[dreg:$0x0] =	wrdreg $0xFFFFFFFF;
	(pc) =	sbr.abs _section_cstart, $3  }
0xbf: {  	[dreg:$0x1] =	wrdreg $0xFFFFFFFF  }
0xc0: {  	_ =	task.clear_ibuf [dreg:s6], $0x2FFFF;
	_ =	strace $0x9FFFFFFF  }
0xc1: {  	(tm) =	ssettm $0x7FFFFFFF  }
tec
execute0_lowered:
.L_overlay_start_1:
0x0: {  	(tag) =	ssettag $0x1  }
0x1: {  	s1 =	srdreg.scid;
	s0 =	stileid.u32  }
0x2: {  	s30 =	sand.u32 $0x1, s1;
	s26 =	sshll.u32 s0, $0x1  }
0x3: {  	s9 =	sor.u32 s30, s26  }
0x4: {  	s3 =	smul.u32 $0x4E2, s9  }
0x5: {  	s8 =	rddreg [dreg:$0x0]  }
0x6: {  	s2 =	simm.s32 $0x0;
	s3 =	sadd.s32 s3, s8  }
0x7: {  	[smem:$0x7FF] =	sst s2;
	s3 =	sadd.s32 $0x2200, s3  }
0x8: {  	_ =	strace $0x80000047;
	[dreg:$0x2] =	wrdreg s3  }
0x9: {  	s3 =	simm.s32 $0x5;
	s4 =	rddreg [dreg:$0x2]  }
0xa: {  	[tilespmem:s2], [sflag:$0x5] =	stream.linear.gather [hbm4b:s4+s2], $0x2710, $0x38;
	[tilespmem:$0xA410] =	vst v63  }
0xb: {  	_ =	swait.ge [sflag:s3], $0x2710  }
0xc: {  	s5 =	simm.s32 $0x3E8;
	s6 =	simm.s32 $0x2710;
	[sflag:s3] =	ssyncset.done $0x0  }
0xd: {  	s7 =	simm.s32 $0x1;
	s4 =	sadd.s32 $0xC000, s8;
	[sflag:s3] =	ssyncadd.s32 $0xFFFFD8F0  }
0xe: {  	[tilespmem:s6], [sflag:$0x1] =	stream.indirect.gather [hbm4b:s4+s5], $0x10, s2, s5, $0xb8;
	[tilespmem:$0xA410] =	vst v63  }
0xf: {  	s10 =	smul.u32 $0x4E20, s9;
	_ =	swait.ge [sflag:s7], $0x3E80  }
0x10: {  	s11 =	sadd.s32 $0x15E00, s8;
	[sflag:s7] =	ssyncset.done $0x0  }
0x11: {  	s8 =	sadd.s32 s11, s10;
	[sflag:s7] =	ssyncadd.s32 $0xFFFFC180  }
0x12: {  	[hbm4b:s8+s2] =	stream.linear.scatter [tilespmem:s6], [sflag:$0x3], $0x3E80, $0x38;
	[tilespmem:$0xA410] =	vst v63  }
0x13: {  	s12 =	smul.u32 $0x27100, s9;
	s9 =	simm.s32 $0x6590;
	s10 =	simm.s32 $0x2  }
0x14: {  	[tilespmem:s9], [sflag:$0x2] =	stream.indirect.gather [hbm4b:s4+s5], $0x10, s5, s5, $0xb8;
	[tilespmem:$0xA410] =	vst v63  }
0x15: {  	s12 =	sshrl.u32 s12, $0x3;
	_ =	swait.ge [sflag:s10], $0x3E80  }
0x16: {  	s11 =	sadd.s32 s11, s12;
	[sflag:s10] =	ssyncset.done $0x0  }
0x17: {  	s12 =	simm.s32 $0x3;
	s11 =	sadd.s32 $0x7D0, s11;
	[sflag:s10] =	ssyncadd.s32 $0xFFFFC180  }
0x18: {  	[hbm4b:s11+s2] =	stream.linear.scatter [tilespmem:s9], [sflag:$0x4], $0x3E80, $0x38;
	[tilespmem:$0xA410] =	vst v63  }
0x19: {  	_ =	swait.ge [sflag:s12], $0x3E80  }
0x1a: {  	[sflag:s12] =	ssyncset.done $0x0  }
0x1b: {  	s13 =	simm.s32 $0x7D0;
	[sflag:s12] =	ssyncadd.s32 $0xFFFFC180  }
0x1c: {  	[tilespmem:s6], [sflag:$0x1] =	stream.indirect.gather [hbm4b:s4+s5], $0x10, s13, s5, $0xb8;
	[tilespmem:$0xA410] =	vst v63  }
0x1d: {  	_ =	swait.ge [sflag:s7], $0x3E80  }
0x1e: {  	[sflag:s7] =	ssyncset.done $0x0  }
0x1f: {  	s14 =	simm.s32 $0x4;
	s15 =	sadd.s32 $0xFA0, s8;
	[sflag:s7] =	ssyncadd.s32 $0xFFFFC180  }
0x20: {  	[hbm4b:s15+s2] =	stream.linear.scatter [tilespmem:s6], [sflag:$0x3], $0x3E80, $0x38;
	[tilespmem:$0xA410] =	vst v63  }
0x21: {  	_ =	swait.ge [sflag:s14], $0x3E80  }
0x22: {  	[sflag:s14] =	ssyncset.done $0x0  }
0x23: {  	s16 =	simm.s32 $0xBB8;
	[sflag:s14] =	ssyncadd.s32 $0xFFFFC180  }
0x24: {  	[tilespmem:s9], [sflag:$0x2] =	stream.indirect.gather [hbm4b:s4+s5], $0x10, s16, s5, $0xb8;
	[tilespmem:$0xA410] =	vst v63  }
0x25: {  	_ =	swait.ge [sflag:s10], $0x3E80  }
0x26: {  	[sflag:s10] =	ssyncset.done $0x0  }
0x27: {  	s17 =	sadd.s32 $0x1770, s8;
	[sflag:s10] =	ssyncadd.s32 $0xFFFFC180  }
0x28: {  	[hbm4b:s17+s2] =	stream.linear.scatter [tilespmem:s9], [sflag:$0x4], $0x3E80, $0x38;
	[tilespmem:$0xA410] =	vst v63  }
0x29: {  	_ =	swait.ge [sflag:s12], $0x3E80  }
0x2a: {  	[sflag:s12] =	ssyncset.done $0x0  }
0x2b: {  	s18 =	simm.s32 $0xFA0;
	[sflag:s12] =	ssyncadd.s32 $0xFFFFC180  }
0x2c: {  	[tilespmem:s6], [sflag:$0x1] =	stream.indirect.gather [hbm4b:s4+s5], $0x10, s18, s5, $0xb8;
	[tilespmem:$0xA410] =	vst v63  }
0x2d: {  	_ =	swait.ge [sflag:s7], $0x3E80  }
0x2e: {  	[sflag:s7] =	ssyncset.done $0x0  }
0x2f: {  	s19 =	sadd.s32 $0x1F40, s8;
	[sflag:s7] =	ssyncadd.s32 $0xFFFFC180  }
0x30: {  	[hbm4b:s19+s2] =	stream.linear.scatter [tilespmem:s6], [sflag:$0x3], $0x3E80, $0x38;
	[tilespmem:$0xA410] =	vst v63  }
0x31: {  	_ =	swait.ge [sflag:s14], $0x3E80  }
0x32: {  	[sflag:s14] =	ssyncset.done $0x0  }
0x33: {  	s20 =	simm.s32 $0x1388;
	[sflag:s14] =	ssyncadd.s32 $0xFFFFC180  }
0x34: {  	[tilespmem:s9], [sflag:$0x2] =	stream.indirect.gather [hbm4b:s4+s5], $0x10, s20, s5, $0xb8;
	[tilespmem:$0xA410] =	vst v63  }
0x35: {  	_ =	swait.ge [sflag:s10], $0x3E80  }
0x36: {  	[sflag:s10] =	ssyncset.done $0x0  }
0x37: {  	s21 =	sadd.s32 $0x2710, s8;
	[sflag:s10] =	ssyncadd.s32 $0xFFFFC180  }
0x38: {  	[hbm4b:s21+s2] =	stream.linear.scatter [tilespmem:s9], [sflag:$0x4], $0x3E80, $0x38;
	[tilespmem:$0xA410] =	vst v63  }
0x39: {  	_ =	swait.ge [sflag:s12], $0x3E80  }
0x3a: {  	[sflag:s12] =	ssyncset.done $0x0  }
0x3b: {  	s22 =	simm.s32 $0x1770;
	[sflag:s12] =	ssyncadd.s32 $0xFFFFC180  }
0x3c: {  	[tilespmem:s6], [sflag:$0x1] =	stream.indirect.gather [hbm4b:s4+s5], $0x10, s22, s5, $0xb8;
	[tilespmem:$0xA410] =	vst v63  }
0x3d: {  	_ =	swait.ge [sflag:s7], $0x3E80  }
0x3e: {  	[sflag:s7] =	ssyncset.done $0x0  }
0x3f: {  	s23 =	sadd.s32 $0x2EE0, s8;
	[sflag:s7] =	ssyncadd.s32 $0xFFFFC180  }
0x40: {  	[hbm4b:s23+s2] =	stream.linear.scatter [tilespmem:s6], [sflag:$0x3], $0x3E80, $0x38;
	[tilespmem:$0xA410] =	vst v63  }
0x41: {  	_ =	swait.ge [sflag:s14], $0x3E80  }
0x42: {  	[sflag:s14] =	ssyncset.done $0x0  }
0x43: {  	s24 =	simm.s32 $0x1B58;
	[sflag:s14] =	ssyncadd.s32 $0xFFFFC180  }
0x44: {  	[tilespmem:s9], [sflag:$0x2] =	stream.indirect.gather [hbm4b:s4+s5], $0x10, s24, s5, $0xb8;
	[tilespmem:$0xA410] =	vst v63  }
0x45: {  	_ =	swait.ge [sflag:s10], $0x3E80  }
0x46: {  	[sflag:s10] =	ssyncset.done $0x0  }
0x47: {  	s25 =	sadd.s32 $0x36B0, s8;
	[sflag:s10] =	ssyncadd.s32 $0xFFFFC180  }
0x48: {  	[hbm4b:s25+s2] =	stream.linear.scatter [tilespmem:s9], [sflag:$0x4], $0x3E80, $0x38;
	[tilespmem:$0xA410] =	vst v63  }
0x49: {  	_ =	swait.ge [sflag:s12], $0x3E80  }
0x4a: {  	[sflag:s12] =	ssyncset.done $0x0  }
0x4b: {  	s26 =	simm.s32 $0x1F40;
	[sflag:s12] =	ssyncadd.s32 $0xFFFFC180  }
0x4c: {  	[tilespmem:s6], [sflag:$0x1] =	stream.indirect.gather [hbm4b:s4+s5], $0x10, s26, s5, $0xb8;
	[tilespmem:$0xA410] =	vst v63  }
0x4d: {  	_ =	swait.ge [sflag:s7], $0x3E80  }
0x4e: {  	[sflag:s7] =	ssyncset.done $0x0  }
0x4f: {  	s28 =	sadd.s32 $0x3E80, s8;
	[sflag:s7] =	ssyncadd.s32 $0xFFFFC180  }
0x50: {  	[hbm4b:s28+s2] =	stream.linear.scatter [tilespmem:s6], [sflag:$0x3], $0x3E80, $0x38;
	[tilespmem:$0xA410] =	vst v63  }
0x51: {  	_ =	swait.ge [sflag:s14], $0x3E80  }
0x52: {  	s31 =	ssub.s32 $0x2, s30;
	[sflag:s14] =	ssyncset.done $0x0  }
0x53: {  	s29 =	simm.s32 $0x2328;
	s1 =	sshrl.u32 s31, $0x1;
	[sflag:s14] =	ssyncadd.s32 $0xFFFFC180  }
0x54: {  	[tilespmem:s9], [sflag:$0x2] =	stream.indirect.gather [hbm4b:s4+s5], $0x10, s29, s5, $0xb8;
	[tilespmem:$0xA410] =	vst v63  }
0x55: {  	s1 =	ssub.s32 s31, s1;
	_ =	swait.ge [sflag:s10], $0x3E80  }
0x56: {  	s1 =	smax.u32 s1, $0x1;
	[sflag:s10] =	ssyncset.done $0x0  }
0x57: {  	p0 =	sne.s32 s1, $0x1;
	s30 =	sadd.s32 $0x4650, s8;
	[sflag:s10] =	ssyncadd.s32 $0xFFFFC180  }
0x58: {  	[hbm4b:s30+s2] =	stream.linear.scatter [tilespmem:s9], [sflag:$0x4], $0x3E80, $0x38;
	[tilespmem:$0xA410] =	vst v63  }
.Ltmp0:
0x59: {  	_ =	swait.ge [sflag:s12], $0x3E80;
	(pc) =	sbr.rel @!p0 .LBB2_2-.Ltmp0, $4  }
0x5a: {  	[sflag:s12] =	ssyncset.done $0x0  }
0x5b: {  	[sflag:s12] =	ssyncadd.s32 $0xFFFFC180  }
0x5c: {  	_ =	swait.ge [sflag:s14], $0x3E80  }
0x5d: {  	s31 =	sadd.s32 $0xFFFFFFFF, s1;
	[sflag:s14] =	ssyncset.done $0x0  }
.LBB2_1:
0x5e: {  	s1 =	rddreg [dreg:$0x2];
	[sflag:s14] =	ssyncadd.s32 $0xFFFFC180  }
0x5f: {  	[tilespmem:s2], [sflag:$0x5] =	stream.linear.gather [hbm4b:s1+s2], $0x2710, $0x38;
	[tilespmem:$0xA410] =	vst v63  }
0x60: {  	_ =	swait.ge [sflag:s3], $0x2710  }
0x61: {  	[sflag:s3] =	ssyncset.done $0x0  }
0x62: {  	[sflag:s3] =	ssyncadd.s32 $0xFFFFD8F0  }
0x63: {  	[tilespmem:s6], [sflag:$0x1] =	stream.indirect.gather [hbm4b:s4+s5], $0x10, s2, s5, $0xb8;
	[tilespmem:$0xA410] =	vst v63  }
0x64: {  	_ =	swait.ge [sflag:s7], $0x3E80  }
0x65: {  	[sflag:s7] =	ssyncset.done $0x0  }
0x66: {  	[sflag:s7] =	ssyncadd.s32 $0xFFFFC180  }
0x67: {  	[hbm4b:s8+s2] =	stream.linear.scatter [tilespmem:s6], [sflag:$0x3], $0x3E80, $0x38;
	[tilespmem:$0xA410] =	vst v63  }
0x68: {  	_ = 	snop  }
0x69: {  	[tilespmem:s9], [sflag:$0x2] =	stream.indirect.gather [hbm4b:s4+s5], $0x10, s5, s5, $0xb8;
	[tilespmem:$0xA410] =	vst v63  }
0x6a: {  	_ =	swait.ge [sflag:s10], $0x3E80  }
0x6b: {  	[sflag:s10] =	ssyncset.done $0x0  }
0x6c: {  	[sflag:s10] =	ssyncadd.s32 $0xFFFFC180  }
0x6d: {  	[hbm4b:s11+s2] =	stream.linear.scatter [tilespmem:s9], [sflag:$0x4], $0x3E80, $0x38;
	[tilespmem:$0xA410] =	vst v63  }
0x6e: {  	_ =	swait.ge [sflag:s12], $0x3E80  }
0x6f: {  	[sflag:s12] =	ssyncset.done $0x0  }
0x70: {  	[sflag:s12] =	ssyncadd.s32 $0xFFFFC180  }
0x71: {  	[tilespmem:s6], [sflag:$0x1] =	stream.indirect.gather [hbm4b:s4+s5], $0x10, s13, s5, $0xb8;
	[tilespmem:$0xA410] =	vst v63  }
0x72: {  	_ =	swait.ge [sflag:s7], $0x3E80  }
0x73: {  	[sflag:s7] =	ssyncset.done $0x0  }
0x74: {  	[sflag:s7] =	ssyncadd.s32 $0xFFFFC180  }
0x75: {  	[hbm4b:s15+s2] =	stream.linear.scatter [tilespmem:s6], [sflag:$0x3], $0x3E80, $0x38;
	[tilespmem:$0xA410] =	vst v63  }
0x76: {  	_ =	swait.ge [sflag:s14], $0x3E80  }
0x77: {  	[sflag:s14] =	ssyncset.done $0x0  }
0x78: {  	[sflag:s14] =	ssyncadd.s32 $0xFFFFC180  }
0x79: {  	[tilespmem:s9], [sflag:$0x2] =	stream.indirect.gather [hbm4b:s4+s5], $0x10, s16, s5, $0xb8;
	[tilespmem:$0xA410] =	vst v63  }
0x7a: {  	_ =	swait.ge [sflag:s10], $0x3E80  }
0x7b: {  	[sflag:s10] =	ssyncset.done $0x0  }
0x7c: {  	[sflag:s10] =	ssyncadd.s32 $0xFFFFC180  }
0x7d: {  	[hbm4b:s17+s2] =	stream.linear.scatter [tilespmem:s9], [sflag:$0x4], $0x3E80, $0x38;
	[tilespmem:$0xA410] =	vst v63  }
0x7e: {  	_ =	swait.ge [sflag:s12], $0x3E80  }
0x7f: {  	[sflag:s12] =	ssyncset.done $0x0  }
0x80: {  	[sflag:s12] =	ssyncadd.s32 $0xFFFFC180  }
0x81: {  	[tilespmem:s6], [sflag:$0x1] =	stream.indirect.gather [hbm4b:s4+s5], $0x10, s18, s5, $0xb8;
	[tilespmem:$0xA410] =	vst v63  }
0x82: {  	_ =	swait.ge [sflag:s7], $0x3E80  }
0x83: {  	[sflag:s7] =	ssyncset.done $0x0  }
0x84: {  	[sflag:s7] =	ssyncadd.s32 $0xFFFFC180  }
0x85: {  	[hbm4b:s19+s2] =	stream.linear.scatter [tilespmem:s6], [sflag:$0x3], $0x3E80, $0x38;
	[tilespmem:$0xA410] =	vst v63  }
0x86: {  	_ =	swait.ge [sflag:s14], $0x3E80  }
0x87: {  	[sflag:s14] =	ssyncset.done $0x0  }
0x88: {  	[sflag:s14] =	ssyncadd.s32 $0xFFFFC180  }
0x89: {  	[tilespmem:s9], [sflag:$0x2] =	stream.indirect.gather [hbm4b:s4+s5], $0x10, s20, s5, $0xb8;
	[tilespmem:$0xA410] =	vst v63  }
0x8a: {  	_ =	swait.ge [sflag:s10], $0x3E80  }
0x8b: {  	[sflag:s10] =	ssyncset.done $0x0  }
0x8c: {  	[sflag:s10] =	ssyncadd.s32 $0xFFFFC180  }
0x8d: {  	[hbm4b:s21+s2] =	stream.linear.scatter [tilespmem:s9], [sflag:$0x4], $0x3E80, $0x38;
	[tilespmem:$0xA410] =	vst v63  }
0x8e: {  	_ =	swait.ge [sflag:s12], $0x3E80  }
0x8f: {  	[sflag:s12] =	ssyncset.done $0x0  }
0x90: {  	[sflag:s12] =	ssyncadd.s32 $0xFFFFC180  }
0x91: {  	[tilespmem:s6], [sflag:$0x1] =	stream.indirect.gather [hbm4b:s4+s5], $0x10, s22, s5, $0xb8;
	[tilespmem:$0xA410] =	vst v63  }
0x92: {  	_ =	swait.ge [sflag:s7], $0x3E80  }
0x93: {  	[sflag:s7] =	ssyncset.done $0x0  }
0x94: {  	[sflag:s7] =	ssyncadd.s32 $0xFFFFC180  }
0x95: {  	[hbm4b:s23+s2] =	stream.linear.scatter [tilespmem:s6], [sflag:$0x3], $0x3E80, $0x38;
	[tilespmem:$0xA410] =	vst v63  }
0x96: {  	_ =	swait.ge [sflag:s14], $0x3E80  }
0x97: {  	[sflag:s14] =	ssyncset.done $0x0  }
0x98: {  	[sflag:s14] =	ssyncadd.s32 $0xFFFFC180  }
0x99: {  	[tilespmem:s9], [sflag:$0x2] =	stream.indirect.gather [hbm4b:s4+s5], $0x10, s24, s5, $0xb8;
	[tilespmem:$0xA410] =	vst v63  }
0x9a: {  	_ =	swait.ge [sflag:s10], $0x3E80  }
0x9b: {  	[sflag:s10] =	ssyncset.done $0x0  }
0x9c: {  	[sflag:s10] =	ssyncadd.s32 $0xFFFFC180  }
0x9d: {  	[hbm4b:s25+s2] =	stream.linear.scatter [tilespmem:s9], [sflag:$0x4], $0x3E80, $0x38;
	[tilespmem:$0xA410] =	vst v63  }
0x9e: {  	_ =	swait.ge [sflag:s12], $0x3E80  }
0x9f: {  	[sflag:s12] =	ssyncset.done $0x0  }
0xa0: {  	[sflag:s12] =	ssyncadd.s32 $0xFFFFC180  }
0xa1: {  	[tilespmem:s6], [sflag:$0x1] =	stream.indirect.gather [hbm4b:s4+s5], $0x10, s26, s5, $0xb8;
	[tilespmem:$0xA410] =	vst v63  }
0xa2: {  	_ =	swait.ge [sflag:s7], $0x3E80  }
0xa3: {  	[sflag:s7] =	ssyncset.done $0x0  }
0xa4: {  	[sflag:s7] =	ssyncadd.s32 $0xFFFFC180  }
0xa5: {  	[hbm4b:s28+s2] =	stream.linear.scatter [tilespmem:s6], [sflag:$0x3], $0x3E80, $0x38;
	[tilespmem:$0xA410] =	vst v63  }
0xa6: {  	_ =	swait.ge [sflag:s14], $0x3E80  }
0xa7: {  	[sflag:s14] =	ssyncset.done $0x0  }
0xa8: {  	[sflag:s14] =	ssyncadd.s32 $0xFFFFC180  }
0xa9: {  	[tilespmem:s9], [sflag:$0x2] =	stream.indirect.gather [hbm4b:s4+s5], $0x10, s29, s5, $0xb8;
	[tilespmem:$0xA410] =	vst v63  }
0xaa: {  	_ =	swait.ge [sflag:s10], $0x3E80  }
0xab: {  	[sflag:s10] =	ssyncset.done $0x0  }
0xac: {  	p0 =	sne.s32 s31, $0x1;
	[sflag:s10] =	ssyncadd.s32 $0xFFFFC180  }
0xad: {  	[hbm4b:s30+s2] =	stream.linear.scatter [tilespmem:s9], [sflag:$0x4], $0x3E80, $0x38;
	[tilespmem:$0xA410] =	vst v63  }
.Ltmp1:
0xae: {  	_ =	swait.ge [sflag:s12], $0x3E80;
	(pc) =	sbr.rel @p0 .LBB2_1-.Ltmp1, $4  }
0xaf: {  	[sflag:s12] =	ssyncset.done $0x0  }
0xb0: {  	[sflag:s12] =	ssyncadd.s32 $0xFFFFC180  }
0xb1: {  	_ =	swait.ge [sflag:s14], $0x3E80  }
0xb2: {  	s31 =	sadd.s32 $0xFFFFFFFF, s31;
	[sflag:s14] =	ssyncset.done $0x0  }
.LBB2_2:
0xb3: {  	[sflag:s14] =	ssyncadd.s32 $0xFFFFC180  }
0xb4: {  	_ =	sfence.sel $0x180000  }
0xb5: {  	[bflag:$0x0] =	sbarrier.arrive $0xFFFF  }
0xb6: {  	_ =	strace $0x90000047  }
0xb7: {  	[bflag:$0x2] =	sbarrier.arrive $0xFFFF  }
0xb8: {  	p0 =	sne.s32 s0, $0x0;
	s0 =	rddreg [dreg:$0x1]  }
0xb9: {  	s0 =	sadd.s32 @!p0 $0x100000, s0  }
0xba: {  	[sflag:s0] =	ssyncadd.tile.s32 @!p0 $0x1;
	_ =	shalt  }
.Lfunc_end2:
_tile_overlayer_lowered:
.L_overlay_start_2:
0xbb: {  	(tag) =	ssettag $0x2  }
0xbc: {  	s0 =	rddreg [dreg:$0x0];
	s2 =	stileid.u32  }
0xbd: {  	s1 =	rddreg [dreg:$0x1];
	p0 =	sne.s32 s2, $0x0  }
0xbe: {  	s3 =	rddreg [dreg:$0x2];
	[bflag:$0x3] =	sbarrier.arrive $0xFFFF;
	s2 =	simm.s32 @!p0 $0x1C05  }
0xbf: {  	[timem:s3], [sflag:s2] =	dma.local @!p0 [hbm:s0], s1  }
0xc0: {  	s0 =	simm.s32 @!p0 $0x5  }
0xc1: {  	_ =	swait.ge @!p0 [sflag:s0], s1  }
0xc2: {  	s1 =	ssub.s32 @!p0 $0x0, s1;
	[sflag:s0] =	ssyncset.done @!p0 $0x0  }
0xc3: {  	[sflag:s0] =	ssyncadd.s32 @!p0 s1  }
0xc4: {  	[bflag:$0x3] =	sbarrier.arrive $0xFFFF  }
0xc5: {  	_ =	shalt  }

</sc_bundles>
